<compile_context>
chip_gen: v7x
topology: tpu7x:2x2x1
jax: 0.10.2.dev20260603
libtpu: 0.0.44.dev20260713+nightly
codegen_flags: <defaults>
</compile_context>

<pallas_src>
import functools

import jax
import jax.numpy as jnp
from jax import lax
from jax.experimental import pallas as pl
from jax.experimental.pallas import tpu as pltpu
from jax.experimental.pallas import tpu_sc as plsc

_K = 64


def _scores_kernel(x_ref, idx_ref, scores_ref):
    nb = pl.num_programs(0)
    b = pl.program_id(0)
    x = x_ref[0]
    n, _ = x.shape
    s = jnp.sqrt(jnp.sum(x * x, axis=1))
    scores_ref[pl.ds(b, 1), :] = s.reshape(1, n)

    @pl.when(b == nb - 1)
    def _select():
        s_all = scores_ref[...]
        nb_ = s_all.shape[0]
        sb = lax.bitcast_convert_type(s_all, jnp.int32)

        def tbody(i, t):
            cand = t | lax.shift_left(jnp.int32(1), 30 - i)
            cnt = jnp.sum((sb >= cand).astype(jnp.int32), axis=1, keepdims=True)
            return jnp.where(cnt >= _K, cand, t)

        t = lax.fori_loop(0, 31, tbody, jnp.zeros((nb_, 1), jnp.int32))

        gt = sb > t
        m = jnp.sum(gt.astype(jnp.int32), axis=1, keepdims=True)
        r = _K - m
        tie = sb == t
        idxp = (n - 1) - lax.broadcasted_iota(jnp.int32, sb.shape, 1)

        def ubody(i, u):
            cand = u | lax.shift_left(jnp.int32(1), 11 - i)
            cnt = jnp.sum((tie & (idxp >= cand)).astype(jnp.int32),
                          axis=1, keepdims=True)
            return jnp.where(cnt >= r, cand, u)

        u = lax.fori_loop(0, 12, ubody, jnp.zeros((nb_, 1), jnp.int32))

        msk = (gt | (tie & (idxp >= u))).astype(jnp.int32)

        p = msk
        sh = 1
        while sh < n:
            p = p + jnp.concatenate(
                [jnp.zeros((nb_, sh), jnp.int32), p[:, :n - sh]], axis=1)
            sh *= 2

        lane64 = lax.broadcasted_iota(jnp.int32, (nb_, _K), 1)

        def jbody(j, acc):
            cnt = jnp.sum((p <= j).astype(jnp.int32), axis=1, keepdims=True)
            return acc + cnt * (lane64 == j).astype(jnp.int32)

        idx_mat = lax.fori_loop(0, _K, jbody,
                                jnp.zeros((nb_, _K), jnp.int32))
        base = lax.broadcasted_iota(jnp.int32, (nb_, _K), 0) * n
        idx_ref[...] = idx_mat + base


def _make_gather_mean(b_, n, d):
    mesh = plsc.VectorSubcoreMesh(core_axis_name="c", subcore_axis_name="s")
    d_chunks = d // 16

    @functools.partial(
        pl.kernel,
        mesh=mesh,
        out_type=jax.ShapeDtypeStruct((b_, d), jnp.float32),
        scratch_types=[
            pltpu.VMEM((_K,), jnp.int32),
            pltpu.VMEM((_K, d), jnp.float32),
            pltpu.VMEM((1, d), jnp.float32),
            pltpu.SemaphoreType.DMA,
        ],
    )
    def gather_mean(idx_hbm, tbl_hbm, out_hbm, idx_v, rows_v, o_v, sem):
        wid = lax.axis_index("s") * 2 + lax.axis_index("c")

        @pl.when(wid < b_)
        def _():
            pltpu.sync_copy(idx_hbm.at[pl.ds(wid * _K, _K)], idx_v)
            pltpu.async_copy(tbl_hbm.at[idx_v], rows_v, sem).wait()

            zeros = [jnp.zeros((16,), jnp.float32) for _ in range(d_chunks)]

            def rbody(rj, accs):
                return tuple(accs[c2] + rows_v[rj, pl.ds(c2 * 16, 16)]
                             for c2 in range(d_chunks))

            accs = lax.fori_loop(0, _K, rbody, tuple(zeros))
            for c2 in range(d_chunks):
                o_v[0, pl.ds(c2 * 16, 16)] = accs[c2] * (1.0 / _K)
            pltpu.sync_copy(o_v, out_hbm.at[pl.ds(wid, 1)])

    return gather_mean


def kernel(H_prime):
    b, n, d = H_prime.shape
    idx = pl.pallas_call(
        _scores_kernel,
        grid=(b,),
        in_specs=[pl.BlockSpec((1, n, d), lambda i: (i, 0, 0))],
        out_specs=pl.BlockSpec((b, _K), lambda i: (0, 0)),
        out_shape=jax.ShapeDtypeStruct((b, _K), jnp.int32),
        scratch_shapes=[pltpu.VMEM((b, n), jnp.float32)],
    )(H_prime)
    tbl = H_prime.reshape(b * n, d)
    return _make_gather_mean(b, n, d)(idx.reshape(b * _K), tbl)

# --- scband reference (transcript-rebuilt; emitter-appended) ---
"""Pipeline reference for scband-graph-readout-12919261626913 (READ-ONLY COPY).

The authoritative reference and input builder live on the scoring server;
editing this copy changes nothing except your own understanding.
"""

import jax, jax.numpy as jnp
import numpy as np

TOP_K = 64
EPS = 1e-08

def setup_inputs(seed: int = 0) -> dict:
    key = jax.random.key(seed)
    H_prime = jax.random.normal(key, (16, 4096, 512), dtype=jnp.float32)
    return {"H_prime": H_prime}

def reference(H_prime):
    B, N, D = H_prime.shape
    k = min(max(TOP_K, 1), N)
    scores = jnp.sqrt(jnp.sum(H_prime * H_prime, axis=-1))  # (B, N) L2 norm
    _, topk_idx = jax.lax.top_k(scores, k)  # (B, k)
    gathered = jnp.take_along_axis(H_prime, topk_idx[:, :, None], axis=1)  # (B, k, D)
    return gathered.mean(axis=1)  # (B, D)

if __name__ == "__main__":
    import jax
    _d = setup_inputs()
    print(jax.jit(kernel)(*tuple(_d.values())))

</pallas_src>

<mosaic_0001>
#map = affine_map<(d0, d1) -> (0)>
#map1 = affine_map<(d0, d1) -> (0, 0)>
module attributes {stable_mosaic.version = 14 : i64} {
  func.func @gather_mean(%arg0: i32, %arg1: i32, %arg2: memref<1024xi32, #tpu.memory_space<hbm>>, %arg3: memref<65536x512xf32, #tpu.memory_space<hbm>>, %arg4: memref<16x512xf32, #tpu.memory_space<hbm>>, %arg5: memref<64xi32, #tpu.memory_space<vmem>>, %arg6: memref<64x512xf32, #tpu.memory_space<vmem>>, %arg7: memref<1x512xf32, #tpu.memory_space<vmem>>, %arg8: memref<!tpu.dma_semaphore, #tpu.memory_space<semaphore_mem>>) attributes {dimension_semantics = [#tpu.dimension_semantics<core_parallel>, #tpu.dimension_semantics<subcore_parallel>], iteration_bounds = array<i64: 2, 16>, scalar_prefetch = 0 : i64, scratch_operands = 4 : i64, tpu.core_type = #tpu.core_type<sc_vector_subcore>, window_params = [{transform_indices = #map}, {transform_indices = #map1}, {transform_indices = #map1}]} {
    %mul3A = arith.constant 2 : i32
    %mul3A_0 = arith.muli %arg1, %mul3A : i32
    %add3A = arith.addi %mul3A_0, %arg0 : i32
    %lt3A = arith.constant 16 : i32
    %lt3A_1 = arith.cmpi slt, %add3A, %lt3A : i32
    %convert_element_type3A = arith.extui %lt3A_1 : i1 to i32
    %cond3A = arith.constant 0 : i32
    %cond3A_2 = arith.cmpi ne, %convert_element_type3A, %cond3A : i32
    scf.if %cond3A_2 {
      %mul3A_3 = arith.constant 64 : i32
      %mul3A_4 = arith.muli %add3A, %mul3A_3 : i32
      "tpu.region"() ({
        %run_scoped3A = tpu.sem_alloc : memref<!tpu.dma_semaphore, #tpu.memory_space<semaphore_mem>>
        %dma_start3A_364 = tpu.memref_slice %arg2[%mul3A_4] : memref<1024xi32, #tpu.memory_space<hbm>> -> memref<64xi32, #tpu.memory_space<hbm>>
        %dma_start3A_365 = tpu.memref_slice %arg2[%mul3A_4] : memref<1024xi32, #tpu.memory_space<hbm>> -> memref<64xi32, #tpu.memory_space<hbm>>
        tpu.enqueue_dma source(%dma_start3A_365 : memref<64xi32, #tpu.memory_space<hbm>>) target(%arg5 : memref<64xi32, #tpu.memory_space<vmem>>) target_semaphore(%run_scoped3A : memref<!tpu.dma_semaphore, #tpu.memory_space<semaphore_mem>>)
        %dma_wait3A_366 = tpu.memref_slice %arg2[%mul3A_4] : memref<1024xi32, #tpu.memory_space<hbm>> -> memref<64xi32, #tpu.memory_space<hbm>>
        %dma_wait3A_367 = tpu.memref_slice %arg2[%mul3A_4] : memref<1024xi32, #tpu.memory_space<hbm>> -> memref<64xi32, #tpu.memory_space<hbm>>
        tpu.wait_dma2 semaphore(%run_scoped3A : memref<!tpu.dma_semaphore, #tpu.memory_space<semaphore_mem>>) src(%dma_wait3A_367 : memref<64xi32, #tpu.memory_space<hbm>>) dst(%arg5 : memref<64xi32, #tpu.memory_space<vmem>>)
        tpu.yield
      }) : () -> ()
      %dma_start3A = arith.constant 0 : i32
      %dma_start3A_5 = arith.constant 0 : i32
      %dma_start3A_6 = tpu.memref_slice %arg3[%dma_start3A, %dma_start3A_5] : memref<65536x512xf32, #tpu.memory_space<hbm>> -> memref<65536x512xf32, #tpu.memory_space<hbm>>
      tpu.enqueue_indirect_dma source(%dma_start3A_6 : memref<65536x512xf32, #tpu.memory_space<hbm>>) target(%arg6 : memref<64x512xf32, #tpu.memory_space<vmem>>) offsets(%arg5 : memref<64xi32, #tpu.memory_space<vmem>>) semaphore(%arg8 : memref<!tpu.dma_semaphore, #tpu.memory_space<semaphore_mem>>)
      %dma_wait3A = arith.constant 0 : i32
      %dma_wait3A_7 = arith.constant 0 : i32
      %dma_wait3A_8 = tpu.memref_slice %arg3[%dma_wait3A, %dma_wait3A_7] : memref<65536x512xf32, #tpu.memory_space<hbm>> -> memref<65536x512xf32, #tpu.memory_space<hbm>>
      tpu.wait_indirect_dma semaphore(%arg8 : memref<!tpu.dma_semaphore, #tpu.memory_space<semaphore_mem>>) src(%dma_wait3A_8 : memref<65536x512xf32, #tpu.memory_space<hbm>>) dst(%arg6 : memref<64x512xf32, #tpu.memory_space<vmem>>)
      %broadcast_in_dim3A = arith.constant 0.000000e+00 : f32
      %broadcast_in_dim3A_9 = vector.broadcast %broadcast_in_dim3A : f32 to vector<16xf32>
      %broadcast_in_dim3A_10 = arith.constant 0.000000e+00 : f32
      %broadcast_in_dim3A_11 = vector.broadcast %broadcast_in_dim3A_10 : f32 to vector<16xf32>
      %broadcast_in_dim3A_12 = arith.constant 0.000000e+00 : f32
      %broadcast_in_dim3A_13 = vector.broadcast %broadcast_in_dim3A_12 : f32 to vector<16xf32>
      %broadcast_in_dim3A_14 = arith.constant 0.000000e+00 : f32
      %broadcast_in_dim3A_15 = vector.broadcast %broadcast_in_dim3A_14 : f32 to vector<16xf32>
      %broadcast_in_dim3A_16 = arith.constant 0.000000e+00 : f32
      %broadcast_in_dim3A_17 = vector.broadcast %broadcast_in_dim3A_16 : f32 to vector<16xf32>
      %broadcast_in_dim3A_18 = arith.constant 0.000000e+00 : f32
      %broadcast_in_dim3A_19 = vector.broadcast %broadcast_in_dim3A_18 : f32 to vector<16xf32>
      %broadcast_in_dim3A_20 = arith.constant 0.000000e+00 : f32
      %broadcast_in_dim3A_21 = vector.broadcast %broadcast_in_dim3A_20 : f32 to vector<16xf32>
      %broadcast_in_dim3A_22 = arith.constant 0.000000e+00 : f32
      %broadcast_in_dim3A_23 = vector.broadcast %broadcast_in_dim3A_22 : f32 to vector<16xf32>
      %broadcast_in_dim3A_24 = arith.constant 0.000000e+00 : f32
      %broadcast_in_dim3A_25 = vector.broadcast %broadcast_in_dim3A_24 : f32 to vector<16xf32>
      %broadcast_in_dim3A_26 = arith.constant 0.000000e+00 : f32
      %broadcast_in_dim3A_27 = vector.broadcast %broadcast_in_dim3A_26 : f32 to vector<16xf32>
      %broadcast_in_dim3A_28 = arith.constant 0.000000e+00 : f32
      %broadcast_in_dim3A_29 = vector.broadcast %broadcast_in_dim3A_28 : f32 to vector<16xf32>
      %broadcast_in_dim3A_30 = arith.constant 0.000000e+00 : f32
      %broadcast_in_dim3A_31 = vector.broadcast %broadcast_in_dim3A_30 : f32 to vector<16xf32>
      %broadcast_in_dim3A_32 = arith.constant 0.000000e+00 : f32
      %broadcast_in_dim3A_33 = vector.broadcast %broadcast_in_dim3A_32 : f32 to vector<16xf32>
      %broadcast_in_dim3A_34 = arith.constant 0.000000e+00 : f32
      %broadcast_in_dim3A_35 = vector.broadcast %broadcast_in_dim3A_34 : f32 to vector<16xf32>
      %broadcast_in_dim3A_36 = arith.constant 0.000000e+00 : f32
      %broadcast_in_dim3A_37 = vector.broadcast %broadcast_in_dim3A_36 : f32 to vector<16xf32>
      %broadcast_in_dim3A_38 = arith.constant 0.000000e+00 : f32
      %broadcast_in_dim3A_39 = vector.broadcast %broadcast_in_dim3A_38 : f32 to vector<16xf32>
      %broadcast_in_dim3A_40 = arith.constant 0.000000e+00 : f32
      %broadcast_in_dim3A_41 = vector.broadcast %broadcast_in_dim3A_40 : f32 to vector<16xf32>
      %broadcast_in_dim3A_42 = arith.constant 0.000000e+00 : f32
      %broadcast_in_dim3A_43 = vector.broadcast %broadcast_in_dim3A_42 : f32 to vector<16xf32>
      %broadcast_in_dim3A_44 = arith.constant 0.000000e+00 : f32
      %broadcast_in_dim3A_45 = vector.broadcast %broadcast_in_dim3A_44 : f32 to vector<16xf32>
      %broadcast_in_dim3A_46 = arith.constant 0.000000e+00 : f32
      %broadcast_in_dim3A_47 = vector.broadcast %broadcast_in_dim3A_46 : f32 to vector<16xf32>
      %broadcast_in_dim3A_48 = arith.constant 0.000000e+00 : f32
      %broadcast_in_dim3A_49 = vector.broadcast %broadcast_in_dim3A_48 : f32 to vector<16xf32>
      %broadcast_in_dim3A_50 = arith.constant 0.000000e+00 : f32
      %broadcast_in_dim3A_51 = vector.broadcast %broadcast_in_dim3A_50 : f32 to vector<16xf32>
      %broadcast_in_dim3A_52 = arith.constant 0.000000e+00 : f32
      %broadcast_in_dim3A_53 = vector.broadcast %broadcast_in_dim3A_52 : f32 to vector<16xf32>
      %broadcast_in_dim3A_54 = arith.constant 0.000000e+00 : f32
      %broadcast_in_dim3A_55 = vector.broadcast %broadcast_in_dim3A_54 : f32 to vector<16xf32>
      %broadcast_in_dim3A_56 = arith.constant 0.000000e+00 : f32
      %broadcast_in_dim3A_57 = vector.broadcast %broadcast_in_dim3A_56 : f32 to vector<16xf32>
      %broadcast_in_dim3A_58 = arith.constant 0.000000e+00 : f32
      %broadcast_in_dim3A_59 = vector.broadcast %broadcast_in_dim3A_58 : f32 to vector<16xf32>
      %broadcast_in_dim3A_60 = arith.constant 0.000000e+00 : f32
      %broadcast_in_dim3A_61 = vector.broadcast %broadcast_in_dim3A_60 : f32 to vector<16xf32>
      %broadcast_in_dim3A_62 = arith.constant 0.000000e+00 : f32
      %broadcast_in_dim3A_63 = vector.broadcast %broadcast_in_dim3A_62 : f32 to vector<16xf32>
      %broadcast_in_dim3A_64 = arith.constant 0.000000e+00 : f32
      %broadcast_in_dim3A_65 = vector.broadcast %broadcast_in_dim3A_64 : f32 to vector<16xf32>
      %broadcast_in_dim3A_66 = arith.constant 0.000000e+00 : f32
      %broadcast_in_dim3A_67 = vector.broadcast %broadcast_in_dim3A_66 : f32 to vector<16xf32>
      %broadcast_in_dim3A_68 = arith.constant 0.000000e+00 : f32
      %broadcast_in_dim3A_69 = vector.broadcast %broadcast_in_dim3A_68 : f32 to vector<16xf32>
      %broadcast_in_dim3A_70 = arith.constant 0.000000e+00 : f32
      %broadcast_in_dim3A_71 = vector.broadcast %broadcast_in_dim3A_70 : f32 to vector<16xf32>
      %scan3A = arith.constant 0 : i32
      %scan3A_72 = arith.constant 64 : i32
      %scan3A_73 = arith.addi %scan3A, %scan3A_72 : i32
      %scan3A_74 = arith.constant 1 : i32
      %scan3A_75:32 = scf.for %scan3A_364 = %scan3A to %scan3A_73 step %scan3A_74 iter_args(%scan3A_365 = %broadcast_in_dim3A_9, %scan3A_366 = %broadcast_in_dim3A_11, %scan3A_367 = %broadcast_in_dim3A_13, %scan3A_368 = %broadcast_in_dim3A_15, %scan3A_369 = %broadcast_in_dim3A_17, %scan3A_370 = %broadcast_in_dim3A_19, %scan3A_371 = %broadcast_in_dim3A_21, %scan3A_372 = %broadcast_in_dim3A_23, %scan3A_373 = %broadcast_in_dim3A_25, %scan3A_374 = %broadcast_in_dim3A_27, %scan3A_375 = %broadcast_in_dim3A_29, %scan3A_376 = %broadcast_in_dim3A_31, %scan3A_377 = %broadcast_in_dim3A_33, %scan3A_378 = %broadcast_in_dim3A_35, %scan3A_379 = %broadcast_in_dim3A_37, %scan3A_380 = %broadcast_in_dim3A_39, %scan3A_381 = %broadcast_in_dim3A_41, %scan3A_382 = %broadcast_in_dim3A_43, %scan3A_383 = %broadcast_in_dim3A_45, %scan3A_384 = %broadcast_in_dim3A_47, %scan3A_385 = %broadcast_in_dim3A_49, %scan3A_386 = %broadcast_in_dim3A_51, %scan3A_387 = %broadcast_in_dim3A_53, %scan3A_388 = %broadcast_in_dim3A_55, %scan3A_389 = %broadcast_in_dim3A_57, %scan3A_390 = %broadcast_in_dim3A_59, %scan3A_391 = %broadcast_in_dim3A_61, %scan3A_392 = %broadcast_in_dim3A_63, %scan3A_393 = %broadcast_in_dim3A_65, %scan3A_394 = %broadcast_in_dim3A_67, %scan3A_395 = %broadcast_in_dim3A_69, %scan3A_396 = %broadcast_in_dim3A_71) -> (vector<16xf32>, vector<16xf32>, vector<16xf32>, vector<16xf32>, vector<16xf32>, vector<16xf32>, vector<16xf32>, vector<16xf32>, vector<16xf32>, vector<16xf32>, vector<16xf32>, vector<16xf32>, vector<16xf32>, vector<16xf32>, vector<16xf32>, vector<16xf32>, vector<16xf32>, vector<16xf32>, vector<16xf32>, vector<16xf32>, vector<16xf32>, vector<16xf32>, vector<16xf32>, vector<16xf32>, vector<16xf32>, vector<16xf32>, vector<16xf32>, vector<16xf32>, vector<16xf32>, vector<16xf32>, vector<16xf32>, vector<16xf32>)  : i32 {
        %get3A = arith.index_cast %scan3A_364 : i32 to index
        %get3A_397 = arith.constant 0 : index
        %get3A_398 = tpu.vector_load %arg6[%get3A, %get3A_397] {strides = array<i32>} : memref<64x512xf32, #tpu.memory_space<vmem>>, vector<1x16xf32>,
        %get3A_399 = vector.shape_cast %get3A_398 : vector<1x16xf32> to vector<16xf32>
        %add3A_400 = arith.addf %scan3A_365, %get3A_399 : vector<16xf32>
        %get3A_401 = arith.index_cast %scan3A_364 : i32 to index
        %get3A_402 = arith.constant 16 : index
        %get3A_403 = tpu.vector_load %arg6[%get3A_401, %get3A_402] {strides = array<i32>} : memref<64x512xf32, #tpu.memory_space<vmem>>, vector<1x16xf32>,
        %get3A_404 = vector.shape_cast %get3A_403 : vector<1x16xf32> to vector<16xf32>
        %add3A_405 = arith.addf %scan3A_366, %get3A_404 : vector<16xf32>
        %get3A_406 = arith.index_cast %scan3A_364 : i32 to index
        %get3A_407 = arith.constant 32 : index
        %get3A_408 = tpu.vector_load %arg6[%get3A_406, %get3A_407] {strides = array<i32>} : memref<64x512xf32, #tpu.memory_space<vmem>>, vector<1x16xf32>,
        %get3A_409 = vector.shape_cast %get3A_408 : vector<1x16xf32> to vector<16xf32>
        %add3A_410 = arith.addf %scan3A_367, %get3A_409 : vector<16xf32>
        %get3A_411 = arith.index_cast %scan3A_364 : i32 to index
        %get3A_412 = arith.constant 48 : index
        %get3A_413 = tpu.vector_load %arg6[%get3A_411, %get3A_412] {strides = array<i32>} : memref<64x512xf32, #tpu.memory_space<vmem>>, vector<1x16xf32>,
        %get3A_414 = vector.shape_cast %get3A_413 : vector<1x16xf32> to vector<16xf32>
        %add3A_415 = arith.addf %scan3A_368, %get3A_414 : vector<16xf32>
        %get3A_416 = arith.index_cast %scan3A_364 : i32 to index
        %get3A_417 = arith.constant 64 : index
        %get3A_418 = tpu.vector_load %arg6[%get3A_416, %get3A_417] {strides = array<i32>} : memref<64x512xf32, #tpu.memory_space<vmem>>, vector<1x16xf32>,
        %get3A_419 = vector.shape_cast %get3A_418 : vector<1x16xf32> to vector<16xf32>
        %add3A_420 = arith.addf %scan3A_369, %get3A_419 : vector<16xf32>
        %get3A_421 = arith.index_cast %scan3A_364 : i32 to index
        %get3A_422 = arith.constant 80 : index
        %get3A_423 = tpu.vector_load %arg6[%get3A_421, %get3A_422] {strides = array<i32>} : memref<64x512xf32, #tpu.memory_space<vmem>>, vector<1x16xf32>,
        %get3A_424 = vector.shape_cast %get3A_423 : vector<1x16xf32> to vector<16xf32>
        %add3A_425 = arith.addf %scan3A_370, %get3A_424 : vector<16xf32>
        %get3A_426 = arith.index_cast %scan3A_364 : i32 to index
        %get3A_427 = arith.constant 96 : index
        %get3A_428 = tpu.vector_load %arg6[%get3A_426, %get3A_427] {strides = array<i32>} : memref<64x512xf32, #tpu.memory_space<vmem>>, vector<1x16xf32>,
        %get3A_429 = vector.shape_cast %get3A_428 : vector<1x16xf32> to vector<16xf32>
        %add3A_430 = arith.addf %scan3A_371, %get3A_429 : vector<16xf32>
        %get3A_431 = arith.index_cast %scan3A_364 : i32 to index
        %get3A_432 = arith.constant 112 : index
        %get3A_433 = tpu.vector_load %arg6[%get3A_431, %get3A_432] {strides = array<i32>} : memref<64x512xf32, #tpu.memory_space<vmem>>, vector<1x16xf32>,
        %get3A_434 = vector.shape_cast %get3A_433 : vector<1x16xf32> to vector<16xf32>
        %add3A_435 = arith.addf %scan3A_372, %get3A_434 : vector<16xf32>
        %get3A_436 = arith.index_cast %scan3A_364 : i32 to index
        %get3A_437 = arith.constant 128 : index
        %get3A_438 = tpu.vector_load %arg6[%get3A_436, %get3A_437] {strides = array<i32>} : memref<64x512xf32, #tpu.memory_space<vmem>>, vector<1x16xf32>,
        %get3A_439 = vector.shape_cast %get3A_438 : vector<1x16xf32> to vector<16xf32>
        %add3A_440 = arith.addf %scan3A_373, %get3A_439 : vector<16xf32>
        %get3A_441 = arith.index_cast %scan3A_364 : i32 to index
        %get3A_442 = arith.constant 144 : index
        %get3A_443 = tpu.vector_load %arg6[%get3A_441, %get3A_442] {strides = array<i32>} : memref<64x512xf32, #tpu.memory_space<vmem>>, vector<1x16xf32>,
        %get3A_444 = vector.shape_cast %get3A_443 : vector<1x16xf32> to vector<16xf32>
        %add3A_445 = arith.addf %scan3A_374, %get3A_444 : vector<16xf32>
        %get3A_446 = arith.index_cast %scan3A_364 : i32 to index
        %get3A_447 = arith.constant 160 : index
        %get3A_448 = tpu.vector_load %arg6[%get3A_446, %get3A_447] {strides = array<i32>} : memref<64x512xf32, #tpu.memory_space<vmem>>, vector<1x16xf32>,
        %get3A_449 = vector.shape_cast %get3A_448 : vector<1x16xf32> to vector<16xf32>
        %add3A_450 = arith.addf %scan3A_375, %get3A_449 : vector<16xf32>
        %get3A_451 = arith.index_cast %scan3A_364 : i32 to index
        %get3A_452 = arith.constant 176 : index
        %get3A_453 = tpu.vector_load %arg6[%get3A_451, %get3A_452] {strides = array<i32>} : memref<64x512xf32, #tpu.memory_space<vmem>>, vector<1x16xf32>,
        %get3A_454 = vector.shape_cast %get3A_453 : vector<1x16xf32> to vector<16xf32>
        %add3A_455 = arith.addf %scan3A_376, %get3A_454 : vector<16xf32>
        %get3A_456 = arith.index_cast %scan3A_364 : i32 to index
        %get3A_457 = arith.constant 192 : index
        %get3A_458 = tpu.vector_load %arg6[%get3A_456, %get3A_457] {strides = array<i32>} : memref<64x512xf32, #tpu.memory_space<vmem>>, vector<1x16xf32>,
        %get3A_459 = vector.shape_cast %get3A_458 : vector<1x16xf32> to vector<16xf32>
        %add3A_460 = arith.addf %scan3A_377, %get3A_459 : vector<16xf32>
        %get3A_461 = arith.index_cast %scan3A_364 : i32 to index
        %get3A_462 = arith.constant 208 : index
        %get3A_463 = tpu.vector_load %arg6[%get3A_461, %get3A_462] {strides = array<i32>} : memref<64x512xf32, #tpu.memory_space<vmem>>, vector<1x16xf32>,
        %get3A_464 = vector.shape_cast %get3A_463 : vector<1x16xf32> to vector<16xf32>
        %add3A_465 = arith.addf %scan3A_378, %get3A_464 : vector<16xf32>
        %get3A_466 = arith.index_cast %scan3A_364 : i32 to index
        %get3A_467 = arith.constant 224 : index
        %get3A_468 = tpu.vector_load %arg6[%get3A_466, %get3A_467] {strides = array<i32>} : memref<64x512xf32, #tpu.memory_space<vmem>>, vector<1x16xf32>,
        %get3A_469 = vector.shape_cast %get3A_468 : vector<1x16xf32> to vector<16xf32>
        %add3A_470 = arith.addf %scan3A_379, %get3A_469 : vector<16xf32>
        %get3A_471 = arith.index_cast %scan3A_364 : i32 to index
        %get3A_472 = arith.constant 240 : index
        %get3A_473 = tpu.vector_load %arg6[%get3A_471, %get3A_472] {strides = array<i32>} : memref<64x512xf32, #tpu.memory_space<vmem>>, vector<1x16xf32>,
        %get3A_474 = vector.shape_cast %get3A_473 : vector<1x16xf32> to vector<16xf32>
        %add3A_475 = arith.addf %scan3A_380, %get3A_474 : vector<16xf32>
        %get3A_476 = arith.index_cast %scan3A_364 : i32 to index
        %get3A_477 = arith.constant 256 : index
        %get3A_478 = tpu.vector_load %arg6[%get3A_476, %get3A_477] {strides = array<i32>} : memref<64x512xf32, #tpu.memory_space<vmem>>, vector<1x16xf32>,
        %get3A_479 = vector.shape_cast %get3A_478 : vector<1x16xf32> to vector<16xf32>
        %add3A_480 = arith.addf %scan3A_381, %get3A_479 : vector<16xf32>
        %get3A_481 = arith.index_cast %scan3A_364 : i32 to index
        %get3A_482 = arith.constant 272 : index
        %get3A_483 = tpu.vector_load %arg6[%get3A_481, %get3A_482] {strides = array<i32>} : memref<64x512xf32, #tpu.memory_space<vmem>>, vector<1x16xf32>,
        %get3A_484 = vector.shape_cast %get3A_483 : vector<1x16xf32> to vector<16xf32>
        %add3A_485 = arith.addf %scan3A_382, %get3A_484 : vector<16xf32>
        %get3A_486 = arith.index_cast %scan3A_364 : i32 to index
        %get3A_487 = arith.constant 288 : index
        %get3A_488 = tpu.vector_load %arg6[%get3A_486, %get3A_487] {strides = array<i32>} : memref<64x512xf32, #tpu.memory_space<vmem>>, vector<1x16xf32>,
        %get3A_489 = vector.shape_cast %get3A_488 : vector<1x16xf32> to vector<16xf32>
        %add3A_490 = arith.addf %scan3A_383, %get3A_489 : vector<16xf32>
        %get3A_491 = arith.index_cast %scan3A_364 : i32 to index
        %get3A_492 = arith.constant 304 : index
        %get3A_493 = tpu.vector_load %arg6[%get3A_491, %get3A_492] {strides = array<i32>} : memref<64x512xf32, #tpu.memory_space<vmem>>, vector<1x16xf32>,
        %get3A_494 = vector.shape_cast %get3A_493 : vector<1x16xf32> to vector<16xf32>
        %add3A_495 = arith.addf %scan3A_384, %get3A_494 : vector<16xf32>
        %get3A_496 = arith.index_cast %scan3A_364 : i32 to index
        %get3A_497 = arith.constant 320 : index
        %get3A_498 = tpu.vector_load %arg6[%get3A_496, %get3A_497] {strides = array<i32>} : memref<64x512xf32, #tpu.memory_space<vmem>>, vector<1x16xf32>,
        %get3A_499 = vector.shape_cast %get3A_498 : vector<1x16xf32> to vector<16xf32>
        %add3A_500 = arith.addf %scan3A_385, %get3A_499 : vector<16xf32>
        %get3A_501 = arith.index_cast %scan3A_364 : i32 to index
        %get3A_502 = arith.constant 336 : index
        %get3A_503 = tpu.vector_load %arg6[%get3A_501, %get3A_502] {strides = array<i32>} : memref<64x512xf32, #tpu.memory_space<vmem>>, vector<1x16xf32>,
        %get3A_504 = vector.shape_cast %get3A_503 : vector<1x16xf32> to vector<16xf32>
        %add3A_505 = arith.addf %scan3A_386, %get3A_504 : vector<16xf32>
        %get3A_506 = arith.index_cast %scan3A_364 : i32 to index
        %get3A_507 = arith.constant 352 : index
        %get3A_508 = tpu.vector_load %arg6[%get3A_506, %get3A_507] {strides = array<i32>} : memref<64x512xf32, #tpu.memory_space<vmem>>, vector<1x16xf32>,
        %get3A_509 = vector.shape_cast %get3A_508 : vector<1x16xf32> to vector<16xf32>
        %add3A_510 = arith.addf %scan3A_387, %get3A_509 : vector<16xf32>
        %get3A_511 = arith.index_cast %scan3A_364 : i32 to index
        %get3A_512 = arith.constant 368 : index
        %get3A_513 = tpu.vector_load %arg6[%get3A_511, %get3A_512] {strides = array<i32>} : memref<64x512xf32, #tpu.memory_space<vmem>>, vector<1x16xf32>,
        %get3A_514 = vector.shape_cast %get3A_513 : vector<1x16xf32> to vector<16xf32>
        %add3A_515 = arith.addf %scan3A_388, %get3A_514 : vector<16xf32>
        %get3A_516 = arith.index_cast %scan3A_364 : i32 to index
        %get3A_517 = arith.constant 384 : index
        %get3A_518 = tpu.vector_load %arg6[%get3A_516, %get3A_517] {strides = array<i32>} : memref<64x512xf32, #tpu.memory_space<vmem>>, vector<1x16xf32>,
        %get3A_519 = vector.shape_cast %get3A_518 : vector<1x16xf32> to vector<16xf32>
        %add3A_520 = arith.addf %scan3A_389, %get3A_519 : vector<16xf32>
        %get3A_521 = arith.index_cast %scan3A_364 : i32 to index
        %get3A_522 = arith.constant 400 : index
        %get3A_523 = tpu.vector_load %arg6[%get3A_521, %get3A_522] {strides = array<i32>} : memref<64x512xf32, #tpu.memory_space<vmem>>, vector<1x16xf32>,
        %get3A_524 = vector.shape_cast %get3A_523 : vector<1x16xf32> to vector<16xf32>
        %add3A_525 = arith.addf %scan3A_390, %get3A_524 : vector<16xf32>
        %get3A_526 = arith.index_cast %scan3A_364 : i32 to index
        %get3A_527 = arith.constant 416 : index
        %get3A_528 = tpu.vector_load %arg6[%get3A_526, %get3A_527] {strides = array<i32>} : memref<64x512xf32, #tpu.memory_space<vmem>>, vector<1x16xf32>,
        %get3A_529 = vector.shape_cast %get3A_528 : vector<1x16xf32> to vector<16xf32>
        %add3A_530 = arith.addf %scan3A_391, %get3A_529 : vector<16xf32>
        %get3A_531 = arith.index_cast %scan3A_364 : i32 to index
        %get3A_532 = arith.constant 432 : index
        %get3A_533 = tpu.vector_load %arg6[%get3A_531, %get3A_532] {strides = array<i32>} : memref<64x512xf32, #tpu.memory_space<vmem>>, vector<1x16xf32>,
        %get3A_534 = vector.shape_cast %get3A_533 : vector<1x16xf32> to vector<16xf32>
        %add3A_535 = arith.addf %scan3A_392, %get3A_534 : vector<16xf32>
        %get3A_536 = arith.index_cast %scan3A_364 : i32 to index
        %get3A_537 = arith.constant 448 : index
        %get3A_538 = tpu.vector_load %arg6[%get3A_536, %get3A_537] {strides = array<i32>} : memref<64x512xf32, #tpu.memory_space<vmem>>, vector<1x16xf32>,
        %get3A_539 = vector.shape_cast %get3A_538 : vector<1x16xf32> to vector<16xf32>
        %add3A_540 = arith.addf %scan3A_393, %get3A_539 : vector<16xf32>
        %get3A_541 = arith.index_cast %scan3A_364 : i32 to index
        %get3A_542 = arith.constant 464 : index
        %get3A_543 = tpu.vector_load %arg6[%get3A_541, %get3A_542] {strides = array<i32>} : memref<64x512xf32, #tpu.memory_space<vmem>>, vector<1x16xf32>,
        %get3A_544 = vector.shape_cast %get3A_543 : vector<1x16xf32> to vector<16xf32>
        %add3A_545 = arith.addf %scan3A_394, %get3A_544 : vector<16xf32>
        %get3A_546 = arith.index_cast %scan3A_364 : i32 to index
        %get3A_547 = arith.constant 480 : index
        %get3A_548 = tpu.vector_load %arg6[%get3A_546, %get3A_547] {strides = array<i32>} : memref<64x512xf32, #tpu.memory_space<vmem>>, vector<1x16xf32>,
        %get3A_549 = vector.shape_cast %get3A_548 : vector<1x16xf32> to vector<16xf32>
        %add3A_550 = arith.addf %scan3A_395, %get3A_549 : vector<16xf32>
        %get3A_551 = arith.index_cast %scan3A_364 : i32 to index
        %get3A_552 = arith.constant 496 : index
        %get3A_553 = tpu.vector_load %arg6[%get3A_551, %get3A_552] {strides = array<i32>} : memref<64x512xf32, #tpu.memory_space<vmem>>, vector<1x16xf32>,
        %get3A_554 = vector.shape_cast %get3A_553 : vector<1x16xf32> to vector<16xf32>
        %add3A_555 = arith.addf %scan3A_396, %get3A_554 : vector<16xf32>
        scf.yield %add3A_400, %add3A_405, %add3A_410, %add3A_415, %add3A_420, %add3A_425, %add3A_430, %add3A_435, %add3A_440, %add3A_445, %add3A_450, %add3A_455, %add3A_460, %add3A_465, %add3A_470, %add3A_475, %add3A_480, %add3A_485, %add3A_490, %add3A_495, %add3A_500, %add3A_505, %add3A_510, %add3A_515, %add3A_520, %add3A_525, %add3A_530, %add3A_535, %add3A_540, %add3A_545, %add3A_550, %add3A_555 : vector<16xf32>, vector<16xf32>, vector<16xf32>, vector<16xf32>, vector<16xf32>, vector<16xf32>, vector<16xf32>, vector<16xf32>, vector<16xf32>, vector<16xf32>, vector<16xf32>, vector<16xf32>, vector<16xf32>, vector<16xf32>, vector<16xf32>, vector<16xf32>, vector<16xf32>, vector<16xf32>, vector<16xf32>, vector<16xf32>, vector<16xf32>, vector<16xf32>, vector<16xf32>, vector<16xf32>, vector<16xf32>, vector<16xf32>, vector<16xf32>, vector<16xf32>, vector<16xf32>, vector<16xf32>, vector<16xf32>, vector<16xf32>
      }
      %scan3A_76 = arith.constant 64 : i32
      %mul3A_77 = arith.constant 1.562500e-02 : f32
      %mul3A_78 = vector.broadcast %mul3A_77 : f32 to vector<16xf32>
      %mul3A_79 = arith.mulf %scan3A_75#0, %mul3A_78 : vector<16xf32>
      %swap3A = arith.constant 0 : i32
      %swap3A_80 = arith.index_cast %swap3A : i32 to index
      %swap3A_81 = arith.constant 0 : index
      %swap3A_82 = tpu.vector_load %arg7[%swap3A_80, %swap3A_81] {strides = array<i32>} : memref<1x512xf32, #tpu.memory_space<vmem>>, vector<1x16xf32>,
      %swap3A_83 = vector.shape_cast %swap3A_82 : vector<1x16xf32> to vector<16xf32>
      %swap3A_84 = vector.shape_cast %mul3A_79 : vector<16xf32> to vector<1x16xf32>
      tpu.vector_store %arg7[%swap3A_80, %swap3A_81], %swap3A_84 {strides = array<i32>} : memref<1x512xf32, #tpu.memory_space<vmem>>, vector<1x16xf32>,
      %mul3A_85 = arith.constant 1.562500e-02 : f32
      %mul3A_86 = vector.broadcast %mul3A_85 : f32 to vector<16xf32>
      %mul3A_87 = arith.mulf %scan3A_75#1, %mul3A_86 : vector<16xf32>
      %swap3A_88 = arith.constant 0 : i32
      %swap3A_89 = arith.index_cast %swap3A_88 : i32 to index
      %swap3A_90 = arith.constant 16 : index
      %swap3A_91 = tpu.vector_load %arg7[%swap3A_89, %swap3A_90] {strides = array<i32>} : memref<1x512xf32, #tpu.memory_space<vmem>>, vector<1x16xf32>,
      %swap3A_92 = vector.shape_cast %swap3A_91 : vector<1x16xf32> to vector<16xf32>
      %swap3A_93 = vector.shape_cast %mul3A_87 : vector<16xf32> to vector<1x16xf32>
      tpu.vector_store %arg7[%swap3A_89, %swap3A_90], %swap3A_93 {strides = array<i32>} : memref<1x512xf32, #tpu.memory_space<vmem>>, vector<1x16xf32>,
      %mul3A_94 = arith.constant 1.562500e-02 : f32
      %mul3A_95 = vector.broadcast %mul3A_94 : f32 to vector<16xf32>
      %mul3A_96 = arith.mulf %scan3A_75#2, %mul3A_95 : vector<16xf32>
      %swap3A_97 = arith.constant 0 : i32
      %swap3A_98 = arith.index_cast %swap3A_97 : i32 to index
      %swap3A_99 = arith.constant 32 : index
      %swap3A_100 = tpu.vector_load %arg7[%swap3A_98, %swap3A_99] {strides = array<i32>} : memref<1x512xf32, #tpu.memory_space<vmem>>, vector<1x16xf32>,
      %swap3A_101 = vector.shape_cast %swap3A_100 : vector<1x16xf32> to vector<16xf32>
      %swap3A_102 = vector.shape_cast %mul3A_96 : vector<16xf32> to vector<1x16xf32>
      tpu.vector_store %arg7[%swap3A_98, %swap3A_99], %swap3A_102 {strides = array<i32>} : memref<1x512xf32, #tpu.memory_space<vmem>>, vector<1x16xf32>,
      %mul3A_103 = arith.constant 1.562500e-02 : f32
      %mul3A_104 = vector.broadcast %mul3A_103 : f32 to vector<16xf32>
      %mul3A_105 = arith.mulf %scan3A_75#3, %mul3A_104 : vector<16xf32>
      %swap3A_106 = arith.constant 0 : i32
      %swap3A_107 = arith.index_cast %swap3A_106 : i32 to index
      %swap3A_108 = arith.constant 48 : index
      %swap3A_109 = tpu.vector_load %arg7[%swap3A_107, %swap3A_108] {strides = array<i32>} : memref<1x512xf32, #tpu.memory_space<vmem>>, vector<1x16xf32>,
      %swap3A_110 = vector.shape_cast %swap3A_109 : vector<1x16xf32> to vector<16xf32>
      %swap3A_111 = vector.shape_cast %mul3A_105 : vector<16xf32> to vector<1x16xf32>
      tpu.vector_store %arg7[%swap3A_107, %swap3A_108], %swap3A_111 {strides = array<i32>} : memref<1x512xf32, #tpu.memory_space<vmem>>, vector<1x16xf32>,
      %mul3A_112 = arith.constant 1.562500e-02 : f32
      %mul3A_113 = vector.broadcast %mul3A_112 : f32 to vector<16xf32>
      %mul3A_114 = arith.mulf %scan3A_75#4, %mul3A_113 : vector<16xf32>
      %swap3A_115 = arith.constant 0 : i32
      %swap3A_116 = arith.index_cast %swap3A_115 : i32 to index
      %swap3A_117 = arith.constant 64 : index
      %swap3A_118 = tpu.vector_load %arg7[%swap3A_116, %swap3A_117] {strides = array<i32>} : memref<1x512xf32, #tpu.memory_space<vmem>>, vector<1x16xf32>,
      %swap3A_119 = vector.shape_cast %swap3A_118 : vector<1x16xf32> to vector<16xf32>
      %swap3A_120 = vector.shape_cast %mul3A_114 : vector<16xf32> to vector<1x16xf32>
      tpu.vector_store %arg7[%swap3A_116, %swap3A_117], %swap3A_120 {strides = array<i32>} : memref<1x512xf32, #tpu.memory_space<vmem>>, vector<1x16xf32>,
      %mul3A_121 = arith.constant 1.562500e-02 : f32
      %mul3A_122 = vector.broadcast %mul3A_121 : f32 to vector<16xf32>
      %mul3A_123 = arith.mulf %scan3A_75#5, %mul3A_122 : vector<16xf32>
      %swap3A_124 = arith.constant 0 : i32
      %swap3A_125 = arith.index_cast %swap3A_124 : i32 to index
      %swap3A_126 = arith.constant 80 : index
      %swap3A_127 = tpu.vector_load %arg7[%swap3A_125, %swap3A_126] {strides = array<i32>} : memref<1x512xf32, #tpu.memory_space<vmem>>, vector<1x16xf32>,
      %swap3A_128 = vector.shape_cast %swap3A_127 : vector<1x16xf32> to vector<16xf32>
      %swap3A_129 = vector.shape_cast %mul3A_123 : vector<16xf32> to vector<1x16xf32>
      tpu.vector_store %arg7[%swap3A_125, %swap3A_126], %swap3A_129 {strides = array<i32>} : memref<1x512xf32, #tpu.memory_space<vmem>>, vector<1x16xf32>,
      %mul3A_130 = arith.constant 1.562500e-02 : f32
      %mul3A_131 = vector.broadcast %mul3A_130 : f32 to vector<16xf32>
      %mul3A_132 = arith.mulf %scan3A_75#6, %mul3A_131 : vector<16xf32>
      %swap3A_133 = arith.constant 0 : i32
      %swap3A_134 = arith.index_cast %swap3A_133 : i32 to index
      %swap3A_135 = arith.constant 96 : index
      %swap3A_136 = tpu.vector_load %arg7[%swap3A_134, %swap3A_135] {strides = array<i32>} : memref<1x512xf32, #tpu.memory_space<vmem>>, vector<1x16xf32>,
      %swap3A_137 = vector.shape_cast %swap3A_136 : vector<1x16xf32> to vector<16xf32>
      %swap3A_138 = vector.shape_cast %mul3A_132 : vector<16xf32> to vector<1x16xf32>
      tpu.vector_store %arg7[%swap3A_134, %swap3A_135], %swap3A_138 {strides = array<i32>} : memref<1x512xf32, #tpu.memory_space<vmem>>, vector<1x16xf32>,
      %mul3A_139 = arith.constant 1.562500e-02 : f32
      %mul3A_140 = vector.broadcast %mul3A_139 : f32 to vector<16xf32>
      %mul3A_141 = arith.mulf %scan3A_75#7, %mul3A_140 : vector<16xf32>
      %swap3A_142 = arith.constant 0 : i32
      %swap3A_143 = arith.index_cast %swap3A_142 : i32 to index
      %swap3A_144 = arith.constant 112 : index
      %swap3A_145 = tpu.vector_load %arg7[%swap3A_143, %swap3A_144] {strides = array<i32>} : memref<1x512xf32, #tpu.memory_space<vmem>>, vector<1x16xf32>,
      %swap3A_146 = vector.shape_cast %swap3A_145 : vector<1x16xf32> to vector<16xf32>
      %swap3A_147 = vector.shape_cast %mul3A_141 : vector<16xf32> to vector<1x16xf32>
      tpu.vector_store %arg7[%swap3A_143, %swap3A_144], %swap3A_147 {strides = array<i32>} : memref<1x512xf32, #tpu.memory_space<vmem>>, vector<1x16xf32>,
      %mul3A_148 = arith.constant 1.562500e-02 : f32
      %mul3A_149 = vector.broadcast %mul3A_148 : f32 to vector<16xf32>
      %mul3A_150 = arith.mulf %scan3A_75#8, %mul3A_149 : vector<16xf32>
      %swap3A_151 = arith.constant 0 : i32
      %swap3A_152 = arith.index_cast %swap3A_151 : i32 to index
      %swap3A_153 = arith.constant 128 : index
      %swap3A_154 = tpu.vector_load %arg7[%swap3A_152, %swap3A_153] {strides = array<i32>} : memref<1x512xf32, #tpu.memory_space<vmem>>, vector<1x16xf32>,
      %swap3A_155 = vector.shape_cast %swap3A_154 : vector<1x16xf32> to vector<16xf32>
      %swap3A_156 = vector.shape_cast %mul3A_150 : vector<16xf32> to vector<1x16xf32>
      tpu.vector_store %arg7[%swap3A_152, %swap3A_153], %swap3A_156 {strides = array<i32>} : memref<1x512xf32, #tpu.memory_space<vmem>>, vector<1x16xf32>,
      %mul3A_157 = arith.constant 1.562500e-02 : f32
      %mul3A_158 = vector.broadcast %mul3A_157 : f32 to vector<16xf32>
      %mul3A_159 = arith.mulf %scan3A_75#9, %mul3A_158 : vector<16xf32>
      %swap3A_160 = arith.constant 0 : i32
      %swap3A_161 = arith.index_cast %swap3A_160 : i32 to index
      %swap3A_162 = arith.constant 144 : index
      %swap3A_163 = tpu.vector_load %arg7[%swap3A_161, %swap3A_162] {strides = array<i32>} : memref<1x512xf32, #tpu.memory_space<vmem>>, vector<1x16xf32>,
      %swap3A_164 = vector.shape_cast %swap3A_163 : vector<1x16xf32> to vector<16xf32>
      %swap3A_165 = vector.shape_cast %mul3A_159 : vector<16xf32> to vector<1x16xf32>
      tpu.vector_store %arg7[%swap3A_161, %swap3A_162], %swap3A_165 {strides = array<i32>} : memref<1x512xf32, #tpu.memory_space<vmem>>, vector<1x16xf32>,
      %mul3A_166 = arith.constant 1.562500e-02 : f32
      %mul3A_167 = vector.broadcast %mul3A_166 : f32 to vector<16xf32>
      %mul3A_168 = arith.mulf %scan3A_75#10, %mul3A_167 : vector<16xf32>
      %swap3A_169 = arith.constant 0 : i32
      %swap3A_170 = arith.index_cast %swap3A_169 : i32 to index
      %swap3A_171 = arith.constant 160 : index
      %swap3A_172 = tpu.vector_load %arg7[%swap3A_170, %swap3A_171] {strides = array<i32>} : memref<1x512xf32, #tpu.memory_space<vmem>>, vector<1x16xf32>,
      %swap3A_173 = vector.shape_cast %swap3A_172 : vector<1x16xf32> to vector<16xf32>
      %swap3A_174 = vector.shape_cast %mul3A_168 : vector<16xf32> to vector<1x16xf32>
      tpu.vector_store %arg7[%swap3A_170, %swap3A_171], %swap3A_174 {strides = array<i32>} : memref<1x512xf32, #tpu.memory_space<vmem>>, vector<1x16xf32>,
      %mul3A_175 = arith.constant 1.562500e-02 : f32
      %mul3A_176 = vector.broadcast %mul3A_175 : f32 to vector<16xf32>
      %mul3A_177 = arith.mulf %scan3A_75#11, %mul3A_176 : vector<16xf32>
      %swap3A_178 = arith.constant 0 : i32
      %swap3A_179 = arith.index_cast %swap3A_178 : i32 to index
      %swap3A_180 = arith.constant 176 : index
      %swap3A_181 = tpu.vector_load %arg7[%swap3A_179, %swap3A_180] {strides = array<i32>} : memref<1x512xf32, #tpu.memory_space<vmem>>, vector<1x16xf32>,
      %swap3A_182 = vector.shape_cast %swap3A_181 : vector<1x16xf32> to vector<16xf32>
      %swap3A_183 = vector.shape_cast %mul3A_177 : vector<16xf32> to vector<1x16xf32>
      tpu.vector_store %arg7[%swap3A_179, %swap3A_180], %swap3A_183 {strides = array<i32>} : memref<1x512xf32, #tpu.memory_space<vmem>>, vector<1x16xf32>,
      %mul3A_184 = arith.constant 1.562500e-02 : f32
      %mul3A_185 = vector.broadcast %mul3A_184 : f32 to vector<16xf32>
      %mul3A_186 = arith.mulf %scan3A_75#12, %mul3A_185 : vector<16xf32>
      %swap3A_187 = arith.constant 0 : i32
      %swap3A_188 = arith.index_cast %swap3A_187 : i32 to index
      %swap3A_189 = arith.constant 192 : index
      %swap3A_190 = tpu.vector_load %arg7[%swap3A_188, %swap3A_189] {strides = array<i32>} : memref<1x512xf32, #tpu.memory_space<vmem>>, vector<1x16xf32>,
      %swap3A_191 = vector.shape_cast %swap3A_190 : vector<1x16xf32> to vector<16xf32>
      %swap3A_192 = vector.shape_cast %mul3A_186 : vector<16xf32> to vector<1x16xf32>
      tpu.vector_store %arg7[%swap3A_188, %swap3A_189], %swap3A_192 {strides = array<i32>} : memref<1x512xf32, #tpu.memory_space<vmem>>, vector<1x16xf32>,
      %mul3A_193 = arith.constant 1.562500e-02 : f32
      %mul3A_194 = vector.broadcast %mul3A_193 : f32 to vector<16xf32>
      %mul3A_195 = arith.mulf %scan3A_75#13, %mul3A_194 : vector<16xf32>
      %swap3A_196 = arith.constant 0 : i32
      %swap3A_197 = arith.index_cast %swap3A_196 : i32 to index
      %swap3A_198 = arith.constant 208 : index
      %swap3A_199 = tpu.vector_load %arg7[%swap3A_197, %swap3A_198] {strides = array<i32>} : memref<1x512xf32, #tpu.memory_space<vmem>>, vector<1x16xf32>,
      %swap3A_200 = vector.shape_cast %swap3A_199 : vector<1x16xf32> to vector<16xf32>
      %swap3A_201 = vector.shape_cast %mul3A_195 : vector<16xf32> to vector<1x16xf32>
      tpu.vector_store %arg7[%swap3A_197, %swap3A_198], %swap3A_201 {strides = array<i32>} : memref<1x512xf32, #tpu.memory_space<vmem>>, vector<1x16xf32>,
      %mul3A_202 = arith.constant 1.562500e-02 : f32
      %mul3A_203 = vector.broadcast %mul3A_202 : f32 to vector<16xf32>
      %mul3A_204 = arith.mulf %scan3A_75#14, %mul3A_203 : vector<16xf32>
      %swap3A_205 = arith.constant 0 : i32
      %swap3A_206 = arith.index_cast %swap3A_205 : i32 to index
      %swap3A_207 = arith.constant 224 : index
      %swap3A_208 = tpu.vector_load %arg7[%swap3A_206, %swap3A_207] {strides = array<i32>} : memref<1x512xf32, #tpu.memory_space<vmem>>, vector<1x16xf32>,
      %swap3A_209 = vector.shape_cast %swap3A_208 : vector<1x16xf32> to vector<16xf32>
      %swap3A_210 = vector.shape_cast %mul3A_204 : vector<16xf32> to vector<1x16xf32>
      tpu.vector_store %arg7[%swap3A_206, %swap3A_207], %swap3A_210 {strides = array<i32>} : memref<1x512xf32, #tpu.memory_space<vmem>>, vector<1x16xf32>,
      %mul3A_211 = arith.constant 1.562500e-02 : f32
      %mul3A_212 = vector.broadcast %mul3A_211 : f32 to vector<16xf32>
      %mul3A_213 = arith.mulf %scan3A_75#15, %mul3A_212 : vector<16xf32>
      %swap3A_214 = arith.constant 0 : i32
      %swap3A_215 = arith.index_cast %swap3A_214 : i32 to index
      %swap3A_216 = arith.constant 240 : index
      %swap3A_217 = tpu.vector_load %arg7[%swap3A_215, %swap3A_216] {strides = array<i32>} : memref<1x512xf32, #tpu.memory_space<vmem>>, vector<1x16xf32>,
      %swap3A_218 = vector.shape_cast %swap3A_217 : vector<1x16xf32> to vector<16xf32>
      %swap3A_219 = vector.shape_cast %mul3A_213 : vector<16xf32> to vector<1x16xf32>
      tpu.vector_store %arg7[%swap3A_215, %swap3A_216], %swap3A_219 {strides = array<i32>} : memref<1x512xf32, #tpu.memory_space<vmem>>, vector<1x16xf32>,
      %mul3A_220 = arith.constant 1.562500e-02 : f32
      %mul3A_221 = vector.broadcast %mul3A_220 : f32 to vector<16xf32>
      %mul3A_222 = arith.mulf %scan3A_75#16, %mul3A_221 : vector<16xf32>
      %swap3A_223 = arith.constant 0 : i32
      %swap3A_224 = arith.index_cast %swap3A_223 : i32 to index
      %swap3A_225 = arith.constant 256 : index
      %swap3A_226 = tpu.vector_load %arg7[%swap3A_224, %swap3A_225] {strides = array<i32>} : memref<1x512xf32, #tpu.memory_space<vmem>>, vector<1x16xf32>,
      %swap3A_227 = vector.shape_cast %swap3A_226 : vector<1x16xf32> to vector<16xf32>
      %swap3A_228 = vector.shape_cast %mul3A_222 : vector<16xf32> to vector<1x16xf32>
      tpu.vector_store %arg7[%swap3A_224, %swap3A_225], %swap3A_228 {strides = array<i32>} : memref<1x512xf32, #tpu.memory_space<vmem>>, vector<1x16xf32>,
      %mul3A_229 = arith.constant 1.562500e-02 : f32
      %mul3A_230 = vector.broadcast %mul3A_229 : f32 to vector<16xf32>
      %mul3A_231 = arith.mulf %scan3A_75#17, %mul3A_230 : vector<16xf32>
      %swap3A_232 = arith.constant 0 : i32
      %swap3A_233 = arith.index_cast %swap3A_232 : i32 to index
      %swap3A_234 = arith.constant 272 : index
      %swap3A_235 = tpu.vector_load %arg7[%swap3A_233, %swap3A_234] {strides = array<i32>} : memref<1x512xf32, #tpu.memory_space<vmem>>, vector<1x16xf32>,
      %swap3A_236 = vector.shape_cast %swap3A_235 : vector<1x16xf32> to vector<16xf32>
      %swap3A_237 = vector.shape_cast %mul3A_231 : vector<16xf32> to vector<1x16xf32>
      tpu.vector_store %arg7[%swap3A_233, %swap3A_234], %swap3A_237 {strides = array<i32>} : memref<1x512xf32, #tpu.memory_space<vmem>>, vector<1x16xf32>,
      %mul3A_238 = arith.constant 1.562500e-02 : f32
      %mul3A_239 = vector.broadcast %mul3A_238 : f32 to vector<16xf32>
      %mul3A_240 = arith.mulf %scan3A_75#18, %mul3A_239 : vector<16xf32>
      %swap3A_241 = arith.constant 0 : i32
      %swap3A_242 = arith.index_cast %swap3A_241 : i32 to index
      %swap3A_243 = arith.constant 288 : index
      %swap3A_244 = tpu.vector_load %arg7[%swap3A_242, %swap3A_243] {strides = array<i32>} : memref<1x512xf32, #tpu.memory_space<vmem>>, vector<1x16xf32>,
      %swap3A_245 = vector.shape_cast %swap3A_244 : vector<1x16xf32> to vector<16xf32>
      %swap3A_246 = vector.shape_cast %mul3A_240 : vector<16xf32> to vector<1x16xf32>
      tpu.vector_store %arg7[%swap3A_242, %swap3A_243], %swap3A_246 {strides = array<i32>} : memref<1x512xf32, #tpu.memory_space<vmem>>, vector<1x16xf32>,
      %mul3A_247 = arith.constant 1.562500e-02 : f32
      %mul3A_248 = vector.broadcast %mul3A_247 : f32 to vector<16xf32>
      %mul3A_249 = arith.mulf %scan3A_75#19, %mul3A_248 : vector<16xf32>
      %swap3A_250 = arith.constant 0 : i32
      %swap3A_251 = arith.index_cast %swap3A_250 : i32 to index
      %swap3A_252 = arith.constant 304 : index
      %swap3A_253 = tpu.vector_load %arg7[%swap3A_251, %swap3A_252] {strides = array<i32>} : memref<1x512xf32, #tpu.memory_space<vmem>>, vector<1x16xf32>,
      %swap3A_254 = vector.shape_cast %swap3A_253 : vector<1x16xf32> to vector<16xf32>
      %swap3A_255 = vector.shape_cast %mul3A_249 : vector<16xf32> to vector<1x16xf32>
      tpu.vector_store %arg7[%swap3A_251, %swap3A_252], %swap3A_255 {strides = array<i32>} : memref<1x512xf32, #tpu.memory_space<vmem>>, vector<1x16xf32>,
      %mul3A_256 = arith.constant 1.562500e-02 : f32
      %mul3A_257 = vector.broadcast %mul3A_256 : f32 to vector<16xf32>
      %mul3A_258 = arith.mulf %scan3A_75#20, %mul3A_257 : vector<16xf32>
      %swap3A_259 = arith.constant 0 : i32
      %swap3A_260 = arith.index_cast %swap3A_259 : i32 to index
      %swap3A_261 = arith.constant 320 : index
      %swap3A_262 = tpu.vector_load %arg7[%swap3A_260, %swap3A_261] {strides = array<i32>} : memref<1x512xf32, #tpu.memory_space<vmem>>, vector<1x16xf32>,
      %swap3A_263 = vector.shape_cast %swap3A_262 : vector<1x16xf32> to vector<16xf32>
      %swap3A_264 = vector.shape_cast %mul3A_258 : vector<16xf32> to vector<1x16xf32>
      tpu.vector_store %arg7[%swap3A_260, %swap3A_261], %swap3A_264 {strides = array<i32>} : memref<1x512xf32, #tpu.memory_space<vmem>>, vector<1x16xf32>,
      %mul3A_265 = arith.constant 1.562500e-02 : f32
      %mul3A_266 = vector.broadcast %mul3A_265 : f32 to vector<16xf32>
      %mul3A_267 = arith.mulf %scan3A_75#21, %mul3A_266 : vector<16xf32>
      %swap3A_268 = arith.constant 0 : i32
      %swap3A_269 = arith.index_cast %swap3A_268 : i32 to index
      %swap3A_270 = arith.constant 336 : index
      %swap3A_271 = tpu.vector_load %arg7[%swap3A_269, %swap3A_270] {strides = array<i32>} : memref<1x512xf32, #tpu.memory_space<vmem>>, vector<1x16xf32>,
      %swap3A_272 = vector.shape_cast %swap3A_271 : vector<1x16xf32> to vector<16xf32>
      %swap3A_273 = vector.shape_cast %mul3A_267 : vector<16xf32> to vector<1x16xf32>
      tpu.vector_store %arg7[%swap3A_269, %swap3A_270], %swap3A_273 {strides = array<i32>} : memref<1x512xf32, #tpu.memory_space<vmem>>, vector<1x16xf32>,
      %mul3A_274 = arith.constant 1.562500e-02 : f32
      %mul3A_275 = vector.broadcast %mul3A_274 : f32 to vector<16xf32>
      %mul3A_276 = arith.mulf %scan3A_75#22, %mul3A_275 : vector<16xf32>
      %swap3A_277 = arith.constant 0 : i32
      %swap3A_278 = arith.index_cast %swap3A_277 : i32 to index
      %swap3A_279 = arith.constant 352 : index
      %swap3A_280 = tpu.vector_load %arg7[%swap3A_278, %swap3A_279] {strides = array<i32>} : memref<1x512xf32, #tpu.memory_space<vmem>>, vector<1x16xf32>,
      %swap3A_281 = vector.shape_cast %swap3A_280 : vector<1x16xf32> to vector<16xf32>
      %swap3A_282 = vector.shape_cast %mul3A_276 : vector<16xf32> to vector<1x16xf32>
      tpu.vector_store %arg7[%swap3A_278, %swap3A_279], %swap3A_282 {strides = array<i32>} : memref<1x512xf32, #tpu.memory_space<vmem>>, vector<1x16xf32>,
      %mul3A_283 = arith.constant 1.562500e-02 : f32
      %mul3A_284 = vector.broadcast %mul3A_283 : f32 to vector<16xf32>
      %mul3A_285 = arith.mulf %scan3A_75#23, %mul3A_284 : vector<16xf32>
      %swap3A_286 = arith.constant 0 : i32
      %swap3A_287 = arith.index_cast %swap3A_286 : i32 to index
      %swap3A_288 = arith.constant 368 : index
      %swap3A_289 = tpu.vector_load %arg7[%swap3A_287, %swap3A_288] {strides = array<i32>} : memref<1x512xf32, #tpu.memory_space<vmem>>, vector<1x16xf32>,
      %swap3A_290 = vector.shape_cast %swap3A_289 : vector<1x16xf32> to vector<16xf32>
      %swap3A_291 = vector.shape_cast %mul3A_285 : vector<16xf32> to vector<1x16xf32>
      tpu.vector_store %arg7[%swap3A_287, %swap3A_288], %swap3A_291 {strides = array<i32>} : memref<1x512xf32, #tpu.memory_space<vmem>>, vector<1x16xf32>,
      %mul3A_292 = arith.constant 1.562500e-02 : f32
      %mul3A_293 = vector.broadcast %mul3A_292 : f32 to vector<16xf32>
      %mul3A_294 = arith.mulf %scan3A_75#24, %mul3A_293 : vector<16xf32>
      %swap3A_295 = arith.constant 0 : i32
      %swap3A_296 = arith.index_cast %swap3A_295 : i32 to index
      %swap3A_297 = arith.constant 384 : index
      %swap3A_298 = tpu.vector_load %arg7[%swap3A_296, %swap3A_297] {strides = array<i32>} : memref<1x512xf32, #tpu.memory_space<vmem>>, vector<1x16xf32>,
      %swap3A_299 = vector.shape_cast %swap3A_298 : vector<1x16xf32> to vector<16xf32>
      %swap3A_300 = vector.shape_cast %mul3A_294 : vector<16xf32> to vector<1x16xf32>
      tpu.vector_store %arg7[%swap3A_296, %swap3A_297], %swap3A_300 {strides = array<i32>} : memref<1x512xf32, #tpu.memory_space<vmem>>, vector<1x16xf32>,
      %mul3A_301 = arith.constant 1.562500e-02 : f32
      %mul3A_302 = vector.broadcast %mul3A_301 : f32 to vector<16xf32>
      %mul3A_303 = arith.mulf %scan3A_75#25, %mul3A_302 : vector<16xf32>
      %swap3A_304 = arith.constant 0 : i32
      %swap3A_305 = arith.index_cast %swap3A_304 : i32 to index
      %swap3A_306 = arith.constant 400 : index
      %swap3A_307 = tpu.vector_load %arg7[%swap3A_305, %swap3A_306] {strides = array<i32>} : memref<1x512xf32, #tpu.memory_space<vmem>>, vector<1x16xf32>,
      %swap3A_308 = vector.shape_cast %swap3A_307 : vector<1x16xf32> to vector<16xf32>
      %swap3A_309 = vector.shape_cast %mul3A_303 : vector<16xf32> to vector<1x16xf32>
      tpu.vector_store %arg7[%swap3A_305, %swap3A_306], %swap3A_309 {strides = array<i32>} : memref<1x512xf32, #tpu.memory_space<vmem>>, vector<1x16xf32>,
      %mul3A_310 = arith.constant 1.562500e-02 : f32
      %mul3A_311 = vector.broadcast %mul3A_310 : f32 to vector<16xf32>
      %mul3A_312 = arith.mulf %scan3A_75#26, %mul3A_311 : vector<16xf32>
      %swap3A_313 = arith.constant 0 : i32
      %swap3A_314 = arith.index_cast %swap3A_313 : i32 to index
      %swap3A_315 = arith.constant 416 : index
      %swap3A_316 = tpu.vector_load %arg7[%swap3A_314, %swap3A_315] {strides = array<i32>} : memref<1x512xf32, #tpu.memory_space<vmem>>, vector<1x16xf32>,
      %swap3A_317 = vector.shape_cast %swap3A_316 : vector<1x16xf32> to vector<16xf32>
      %swap3A_318 = vector.shape_cast %mul3A_312 : vector<16xf32> to vector<1x16xf32>
      tpu.vector_store %arg7[%swap3A_314, %swap3A_315], %swap3A_318 {strides = array<i32>} : memref<1x512xf32, #tpu.memory_space<vmem>>, vector<1x16xf32>,
      %mul3A_319 = arith.constant 1.562500e-02 : f32
      %mul3A_320 = vector.broadcast %mul3A_319 : f32 to vector<16xf32>
      %mul3A_321 = arith.mulf %scan3A_75#27, %mul3A_320 : vector<16xf32>
      %swap3A_322 = arith.constant 0 : i32
      %swap3A_323 = arith.index_cast %swap3A_322 : i32 to index
      %swap3A_324 = arith.constant 432 : index
      %swap3A_325 = tpu.vector_load %arg7[%swap3A_323, %swap3A_324] {strides = array<i32>} : memref<1x512xf32, #tpu.memory_space<vmem>>, vector<1x16xf32>,
      %swap3A_326 = vector.shape_cast %swap3A_325 : vector<1x16xf32> to vector<16xf32>
      %swap3A_327 = vector.shape_cast %mul3A_321 : vector<16xf32> to vector<1x16xf32>
      tpu.vector_store %arg7[%swap3A_323, %swap3A_324], %swap3A_327 {strides = array<i32>} : memref<1x512xf32, #tpu.memory_space<vmem>>, vector<1x16xf32>,
      %mul3A_328 = arith.constant 1.562500e-02 : f32
      %mul3A_329 = vector.broadcast %mul3A_328 : f32 to vector<16xf32>
      %mul3A_330 = arith.mulf %scan3A_75#28, %mul3A_329 : vector<16xf32>
      %swap3A_331 = arith.constant 0 : i32
      %swap3A_332 = arith.index_cast %swap3A_331 : i32 to index
      %swap3A_333 = arith.constant 448 : index
      %swap3A_334 = tpu.vector_load %arg7[%swap3A_332, %swap3A_333] {strides = array<i32>} : memref<1x512xf32, #tpu.memory_space<vmem>>, vector<1x16xf32>,
      %swap3A_335 = vector.shape_cast %swap3A_334 : vector<1x16xf32> to vector<16xf32>
      %swap3A_336 = vector.shape_cast %mul3A_330 : vector<16xf32> to vector<1x16xf32>
      tpu.vector_store %arg7[%swap3A_332, %swap3A_333], %swap3A_336 {strides = array<i32>} : memref<1x512xf32, #tpu.memory_space<vmem>>, vector<1x16xf32>,
      %mul3A_337 = arith.constant 1.562500e-02 : f32
      %mul3A_338 = vector.broadcast %mul3A_337 : f32 to vector<16xf32>
      %mul3A_339 = arith.mulf %scan3A_75#29, %mul3A_338 : vector<16xf32>
      %swap3A_340 = arith.constant 0 : i32
      %swap3A_341 = arith.index_cast %swap3A_340 : i32 to index
      %swap3A_342 = arith.constant 464 : index
      %swap3A_343 = tpu.vector_load %arg7[%swap3A_341, %swap3A_342] {strides = array<i32>} : memref<1x512xf32, #tpu.memory_space<vmem>>, vector<1x16xf32>,
      %swap3A_344 = vector.shape_cast %swap3A_343 : vector<1x16xf32> to vector<16xf32>
      %swap3A_345 = vector.shape_cast %mul3A_339 : vector<16xf32> to vector<1x16xf32>
      tpu.vector_store %arg7[%swap3A_341, %swap3A_342], %swap3A_345 {strides = array<i32>} : memref<1x512xf32, #tpu.memory_space<vmem>>, vector<1x16xf32>,
      %mul3A_346 = arith.constant 1.562500e-02 : f32
      %mul3A_347 = vector.broadcast %mul3A_346 : f32 to vector<16xf32>
      %mul3A_348 = arith.mulf %scan3A_75#30, %mul3A_347 : vector<16xf32>
      %swap3A_349 = arith.constant 0 : i32
      %swap3A_350 = arith.index_cast %swap3A_349 : i32 to index
      %swap3A_351 = arith.constant 480 : index
      %swap3A_352 = tpu.vector_load %arg7[%swap3A_350, %swap3A_351] {strides = array<i32>} : memref<1x512xf32, #tpu.memory_space<vmem>>, vector<1x16xf32>,
      %swap3A_353 = vector.shape_cast %swap3A_352 : vector<1x16xf32> to vector<16xf32>
      %swap3A_354 = vector.shape_cast %mul3A_348 : vector<16xf32> to vector<1x16xf32>
      tpu.vector_store %arg7[%swap3A_350, %swap3A_351], %swap3A_354 {strides = array<i32>} : memref<1x512xf32, #tpu.memory_space<vmem>>, vector<1x16xf32>,
      %mul3A_355 = arith.constant 1.562500e-02 : f32
      %mul3A_356 = vector.broadcast %mul3A_355 : f32 to vector<16xf32>
      %mul3A_357 = arith.mulf %scan3A_75#31, %mul3A_356 : vector<16xf32>
      %swap3A_358 = arith.constant 0 : i32
      %swap3A_359 = arith.index_cast %swap3A_358 : i32 to index
      %swap3A_360 = arith.constant 496 : index
      %swap3A_361 = tpu.vector_load %arg7[%swap3A_359, %swap3A_360] {strides = array<i32>} : memref<1x512xf32, #tpu.memory_space<vmem>>, vector<1x16xf32>,
      %swap3A_362 = vector.shape_cast %swap3A_361 : vector<1x16xf32> to vector<16xf32>
      %swap3A_363 = vector.shape_cast %mul3A_357 : vector<16xf32> to vector<1x16xf32>
      tpu.vector_store %arg7[%swap3A_359, %swap3A_360], %swap3A_363 {strides = array<i32>} : memref<1x512xf32, #tpu.memory_space<vmem>>, vector<1x16xf32>,
      "tpu.region"() ({
        %run_scoped3A = tpu.sem_alloc : memref<!tpu.dma_semaphore, #tpu.memory_space<semaphore_mem>>
        %dma_start3A_364 = arith.constant 0 : i32
        %dma_start3A_365 = tpu.memref_slice %arg4[%add3A, %dma_start3A_364] : memref<16x512xf32, #tpu.memory_space<hbm>> -> memref<1x512xf32, #tpu.memory_space<hbm>>
        %dma_start3A_366 = arith.constant 0 : i32
        %dma_start3A_367 = tpu.memref_slice %arg4[%add3A, %dma_start3A_366] : memref<16x512xf32, #tpu.memory_space<hbm>> -> memref<1x512xf32, #tpu.memory_space<hbm>>
        tpu.enqueue_dma source(%arg7 : memref<1x512xf32, #tpu.memory_space<vmem>>) target(%dma_start3A_367 : memref<1x512xf32, #tpu.memory_space<hbm>>) target_semaphore(%run_scoped3A : memref<!tpu.dma_semaphore, #tpu.memory_space<semaphore_mem>>)
        %dma_wait3A_368 = arith.constant 0 : i32
        %dma_wait3A_369 = tpu.memref_slice %arg4[%add3A, %dma_wait3A_368] : memref<16x512xf32, #tpu.memory_space<hbm>> -> memref<1x512xf32, #tpu.memory_space<hbm>>
        %dma_wait3A_370 = arith.constant 0 : i32
        %dma_wait3A_371 = tpu.memref_slice %arg4[%add3A, %dma_wait3A_370] : memref<16x512xf32, #tpu.memory_space<hbm>> -> memref<1x512xf32, #tpu.memory_space<hbm>>
        tpu.wait_dma2 semaphore(%run_scoped3A : memref<!tpu.dma_semaphore, #tpu.memory_space<semaphore_mem>>) src(%arg7 : memref<1x512xf32, #tpu.memory_space<vmem>>) dst(%dma_wait3A_371 : memref<1x512xf32, #tpu.memory_space<hbm>>)
        tpu.yield
      }) : () -> ()
    } else {
    }
    return
  }
}

module attributes {stable_mosaic.version = 14 : i64} {
  func.func @_scores_kernel(%arg0: i32, %arg1: memref<1x4096x512xf32, #tpu.memory_space<vmem>>, %arg2: memref<16x64xi32, #tpu.memory_space<vmem>>, %arg3: memref<16x4096xf32, #tpu.memory_space<vmem>>) attributes {dimension_semantics = [#tpu.dimension_semantics<arbitrary>], iteration_bounds = array<i64: 16>, scalar_prefetch = 0 : i64, scratch_operands = 1 : i64, tpu.core_type = #tpu.core_type<tc>, window_params = [{transform_indices = @transform_0, window_bounds = array<i64: 1, 4096, 512>}, {pipeline_mode = #tpu.pipeline_mode<synchronous>, transform_indices = @transform_1, window_bounds = array<i64: 16, 64>}]} {
    %get3A = arith.constant 0 : index
    %get3A_0 = arith.constant 0 : index
    %get3A_1 = arith.constant 0 : index
    %get3A_2 = vector.load %arg1[%get3A, %get3A_0, %get3A_1] : memref<1x4096x512xf32, #tpu.memory_space<vmem>>, vector<1x4096x512xf32>
    %get3A_3 = vector.shape_cast %get3A_2 : vector<1x4096x512xf32> to vector<4096x512xf32>
    %mul3A = arith.mulf %get3A_3, %get3A_3 : vector<4096x512xf32>
    %reduce_sum3A = arith.constant dense<0.000000e+00> : vector<4096xf32>
    %reduce_sum3A_4 = vector.multi_reduction <add>, %mul3A, %reduce_sum3A [1] : vector<4096x512xf32> to vector<4096xf32>
    %sqrt3A = math.sqrt %reduce_sum3A_4 : vector<4096xf32>
    %reshape3A = vector.shape_cast %sqrt3A : vector<4096xf32> to vector<1x4096xf32>
    %swap3A = arith.index_cast %arg0 : i32 to index
    %swap3A_5 = arith.constant 0 : index
    %swap3A_6 = vector.load %arg3[%swap3A, %swap3A_5] : memref<16x4096xf32, #tpu.memory_space<vmem>>, vector<1x4096xf32>
    tpu.vector_store %arg3[%swap3A, %swap3A_5], %reshape3A {strides = array<i32>} : memref<16x4096xf32, #tpu.memory_space<vmem>>, vector<1x4096xf32>,
    %eq3A = arith.constant 15 : i32
    %eq3A_7 = arith.cmpi eq, %arg0, %eq3A : i32
    %convert_element_type3A = arith.extui %eq3A_7 : i1 to i32
    %cond3A = arith.constant 0 : i32
    %cond3A_8 = arith.cmpi ne, %convert_element_type3A, %cond3A : i32
    scf.if %cond3A_8 {
      %get3A_9 = arith.constant 0 : index
      %get3A_10 = arith.constant 0 : index
      %get3A_11 = vector.load %arg3[%get3A_9, %get3A_10] : memref<16x4096xf32, #tpu.memory_space<vmem>>, vector<16x4096xf32>
      %bitcast_convert_type3A = tpu.bitcast %get3A_11 : vector<16x4096xf32> -> vector<16x4096xi32>
      %broadcast_in_dim3A = arith.constant 0 : i32
      %broadcast_in_dim3A_12 = vector.broadcast %broadcast_in_dim3A : i32 to vector<16x1xi32>
      %scan3A = arith.constant 0 : i32
      %scan3A_13 = arith.constant 31 : i32
      %scan3A_14 = arith.addi %scan3A, %scan3A_13 : i32
      %scan3A_15 = arith.constant 1 : i32
      %scan3A_16 = scf.for %scan3A_114 = %scan3A to %scan3A_14 step %scan3A_15 iter_args(%scan3A_115 = %broadcast_in_dim3A_12) -> (vector<16x1xi32>)  : i32 {
        %sub3A_116 = arith.constant 30 : i32
        %sub3A_117 = arith.subi %sub3A_116, %scan3A_114 : i32
        %shift_left3A = arith.constant 1 : i32
        %shift_left3A_118 = arith.shli %shift_left3A, %sub3A_117 : i32
        %or3A_119 = vector.broadcast %shift_left3A_118 : i32 to vector<16x1xi32>
        %or3A_120 = arith.ori %scan3A_115, %or3A_119 : vector<16x1xi32>
        %ge3A_121 = vector.broadcast %or3A_120 : vector<16x1xi32> to vector<16x4096xi32>
        %ge3A_122 = arith.cmpi sge, %bitcast_convert_type3A, %ge3A_121 : vector<16x4096xi32>
        %convert_element_type3A_123 = arith.extui %ge3A_122 : vector<16x4096xi1> to vector<16x4096xi32>
        %reduce_sum3A_124 = arith.constant dense<0> : vector<16xi32>
        %reduce_sum3A_125 = vector.multi_reduction <add>, %convert_element_type3A_123, %reduce_sum3A_124 [1] : vector<16x4096xi32> to vector<16xi32>
        %broadcast_in_dim3A_126 = vector.shape_cast %reduce_sum3A_125 : vector<16xi32> to vector<16x1xi32>
        %ge3A_127 = arith.constant 64 : i32
        %ge3A_128 = vector.broadcast %ge3A_127 : i32 to vector<16x1xi32>
        %ge3A_129 = arith.cmpi sge, %broadcast_in_dim3A_126, %ge3A_128 : vector<16x1xi32>
        %select_n3A = arith.select %ge3A_129, %or3A_120, %scan3A_115 : vector<16x1xi1>, vector<16x1xi32>
        scf.yield %select_n3A : vector<16x1xi32>
      }
      %scan3A_17 = arith.constant 31 : i32
      %gt3A = vector.broadcast %scan3A_16 : vector<16x1xi32> to vector<16x4096xi32>
      %gt3A_18 = arith.cmpi sgt, %bitcast_convert_type3A, %gt3A : vector<16x4096xi32>
      %convert_element_type3A_19 = arith.extui %gt3A_18 : vector<16x4096xi1> to vector<16x4096xi32>
      %reduce_sum3A_20 = arith.constant dense<0> : vector<16xi32>
      %reduce_sum3A_21 = vector.multi_reduction <add>, %convert_element_type3A_19, %reduce_sum3A_20 [1] : vector<16x4096xi32> to vector<16xi32>
      %broadcast_in_dim3A_22 = vector.shape_cast %reduce_sum3A_21 : vector<16xi32> to vector<16x1xi32>
      %sub3A = arith.constant 64 : i32
      %sub3A_23 = vector.broadcast %sub3A : i32 to vector<16x1xi32>
      %sub3A_24 = arith.subi %sub3A_23, %broadcast_in_dim3A_22 : vector<16x1xi32>
      %eq3A_25 = vector.broadcast %scan3A_16 : vector<16x1xi32> to vector<16x4096xi32>
      %eq3A_26 = arith.cmpi eq, %bitcast_convert_type3A, %eq3A_25 : vector<16x4096xi32>
      %iota3A = tpu.iota {dimensions = array<i32: 1>} : vector<16x4096xi32>
      %sub3A_27 = arith.constant 4095 : i32
      %sub3A_28 = vector.broadcast %sub3A_27 : i32 to vector<16x4096xi32>
      %sub3A_29 = arith.subi %sub3A_28, %iota3A : vector<16x4096xi32>
      %broadcast_in_dim3A_30 = arith.constant 0 : i32
      %broadcast_in_dim3A_31 = vector.broadcast %broadcast_in_dim3A_30 : i32 to vector<16x1xi32>
      %scan3A_32 = arith.constant 0 : i32
      %scan3A_33 = arith.constant 12 : i32
      %scan3A_34 = arith.addi %scan3A_32, %scan3A_33 : i32
      %scan3A_35 = arith.constant 1 : i32
      %scan3A_36 = scf.for %scan3A_114 = %scan3A_32 to %scan3A_34 step %scan3A_35 iter_args(%scan3A_115 = %broadcast_in_dim3A_31) -> (vector<16x1xi32>)  : i32 {
        %sub3A_116 = arith.constant 11 : i32
        %sub3A_117 = arith.subi %sub3A_116, %scan3A_114 : i32
        %shift_left3A = arith.constant 1 : i32
        %shift_left3A_118 = arith.shli %shift_left3A, %sub3A_117 : i32
        %or3A_119 = vector.broadcast %shift_left3A_118 : i32 to vector<16x1xi32>
        %or3A_120 = arith.ori %scan3A_115, %or3A_119 : vector<16x1xi32>
        %ge3A_121 = vector.broadcast %or3A_120 : vector<16x1xi32> to vector<16x4096xi32>
        %ge3A_122 = arith.cmpi sge, %sub3A_29, %ge3A_121 : vector<16x4096xi32>
        %and3A_123 = arith.andi %eq3A_26, %ge3A_122 : vector<16x4096xi1>
        %convert_element_type3A_124 = arith.extui %and3A_123 : vector<16x4096xi1> to vector<16x4096xi32>
        %reduce_sum3A_125 = arith.constant dense<0> : vector<16xi32>
        %reduce_sum3A_126 = vector.multi_reduction <add>, %convert_element_type3A_124, %reduce_sum3A_125 [1] : vector<16x4096xi32> to vector<16xi32>
        %broadcast_in_dim3A_127 = vector.shape_cast %reduce_sum3A_126 : vector<16xi32> to vector<16x1xi32>
        %ge3A_128 = arith.cmpi sge, %broadcast_in_dim3A_127, %sub3A_24 : vector<16x1xi32>
        %select_n3A = arith.select %ge3A_128, %or3A_120, %scan3A_115 : vector<16x1xi1>, vector<16x1xi32>
        scf.yield %select_n3A : vector<16x1xi32>
      }
      %scan3A_37 = arith.constant 12 : i32
      %ge3A = vector.broadcast %scan3A_36 : vector<16x1xi32> to vector<16x4096xi32>
      %ge3A_38 = arith.cmpi sge, %sub3A_29, %ge3A : vector<16x4096xi32>
      %and3A = arith.andi %eq3A_26, %ge3A_38 : vector<16x4096xi1>
      %or3A = arith.ori %gt3A_18, %and3A : vector<16x4096xi1>
      %convert_element_type3A_39 = arith.extui %or3A : vector<16x4096xi1> to vector<16x4096xi32>
      %broadcast_in_dim3A_40 = arith.constant 0 : i32
      %broadcast_in_dim3A_41 = vector.broadcast %broadcast_in_dim3A_40 : i32 to vector<16x1xi32>
      %slice3A = vector.extract_strided_slice %convert_element_type3A_39 {offsets = [0, 0], sizes = [16, 4095], strides = [1, 1]} : vector<16x4096xi32> to vector<16x4095xi32>
      %concatenate3A = tpu.concatenate %broadcast_in_dim3A_41, %slice3A in 1 : vector<16x1xi32>, vector<16x4095xi32> -> vector<16x4096xi32>
      %add3A = arith.addi %convert_element_type3A_39, %concatenate3A : vector<16x4096xi32>
      %broadcast_in_dim3A_42 = arith.constant 0 : i32
      %broadcast_in_dim3A_43 = vector.broadcast %broadcast_in_dim3A_42 : i32 to vector<16x2xi32>
      %slice3A_44 = vector.extract_strided_slice %add3A {offsets = [0, 0], sizes = [16, 4094], strides = [1, 1]} : vector<16x4096xi32> to vector<16x4094xi32>
      %concatenate3A_45 = tpu.concatenate %broadcast_in_dim3A_43, %slice3A_44 in 1 : vector<16x2xi32>, vector<16x4094xi32> -> vector<16x4096xi32>
      %add3A_46 = arith.addi %add3A, %concatenate3A_45 : vector<16x4096xi32>
      %broadcast_in_dim3A_47 = arith.constant 0 : i32
      %broadcast_in_dim3A_48 = vector.broadcast %broadcast_in_dim3A_47 : i32 to vector<16x4xi32>
      %slice3A_49 = vector.extract_strided_slice %add3A_46 {offsets = [0, 0], sizes = [16, 4092], strides = [1, 1]} : vector<16x4096xi32> to vector<16x4092xi32>
      %concatenate3A_50 = tpu.concatenate %broadcast_in_dim3A_48, %slice3A_49 in 1 : vector<16x4xi32>, vector<16x4092xi32> -> vector<16x4096xi32>
      %add3A_51 = arith.addi %add3A_46, %concatenate3A_50 : vector<16x4096xi32>
      %broadcast_in_dim3A_52 = arith.constant 0 : i32
      %broadcast_in_dim3A_53 = vector.broadcast %broadcast_in_dim3A_52 : i32 to vector<16x8xi32>
      %slice3A_54 = vector.extract_strided_slice %add3A_51 {offsets = [0, 0], sizes = [16, 4088], strides = [1, 1]} : vector<16x4096xi32> to vector<16x4088xi32>
      %concatenate3A_55 = tpu.concatenate %broadcast_in_dim3A_53, %slice3A_54 in 1 : vector<16x8xi32>, vector<16x4088xi32> -> vector<16x4096xi32>
      %add3A_56 = arith.addi %add3A_51, %concatenate3A_55 : vector<16x4096xi32>
      %broadcast_in_dim3A_57 = arith.constant 0 : i32
      %broadcast_in_dim3A_58 = vector.broadcast %broadcast_in_dim3A_57 : i32 to vector<16x16xi32>
      %slice3A_59 = vector.extract_strided_slice %add3A_56 {offsets = [0, 0], sizes = [16, 4080], strides = [1, 1]} : vector<16x4096xi32> to vector<16x4080xi32>
      %concatenate3A_60 = tpu.concatenate %broadcast_in_dim3A_58, %slice3A_59 in 1 : vector<16x16xi32>, vector<16x4080xi32> -> vector<16x4096xi32>
      %add3A_61 = arith.addi %add3A_56, %concatenate3A_60 : vector<16x4096xi32>
      %broadcast_in_dim3A_62 = arith.constant 0 : i32
      %broadcast_in_dim3A_63 = vector.broadcast %broadcast_in_dim3A_62 : i32 to vector<16x32xi32>
      %slice3A_64 = vector.extract_strided_slice %add3A_61 {offsets = [0, 0], sizes = [16, 4064], strides = [1, 1]} : vector<16x4096xi32> to vector<16x4064xi32>
      %concatenate3A_65 = tpu.concatenate %broadcast_in_dim3A_63, %slice3A_64 in 1 : vector<16x32xi32>, vector<16x4064xi32> -> vector<16x4096xi32>
      %add3A_66 = arith.addi %add3A_61, %concatenate3A_65 : vector<16x4096xi32>
      %broadcast_in_dim3A_67 = arith.constant 0 : i32
      %broadcast_in_dim3A_68 = vector.broadcast %broadcast_in_dim3A_67 : i32 to vector<16x64xi32>
      %slice3A_69 = vector.extract_strided_slice %add3A_66 {offsets = [0, 0], sizes = [16, 4032], strides = [1, 1]} : vector<16x4096xi32> to vector<16x4032xi32>
      %concatenate3A_70 = tpu.concatenate %broadcast_in_dim3A_68, %slice3A_69 in 1 : vector<16x64xi32>, vector<16x4032xi32> -> vector<16x4096xi32>
      %add3A_71 = arith.addi %add3A_66, %concatenate3A_70 : vector<16x4096xi32>
      %broadcast_in_dim3A_72 = arith.constant 0 : i32
      %broadcast_in_dim3A_73 = vector.broadcast %broadcast_in_dim3A_72 : i32 to vector<16x128xi32>
      %slice3A_74 = vector.extract_strided_slice %add3A_71 {offsets = [0, 0], sizes = [16, 3968], strides = [1, 1]} : vector<16x4096xi32> to vector<16x3968xi32>
      %concatenate3A_75 = tpu.concatenate %broadcast_in_dim3A_73, %slice3A_74 in 1 : vector<16x128xi32>, vector<16x3968xi32> -> vector<16x4096xi32>
      %add3A_76 = arith.addi %add3A_71, %concatenate3A_75 : vector<16x4096xi32>
      %broadcast_in_dim3A_77 = arith.constant 0 : i32
      %broadcast_in_dim3A_78 = vector.broadcast %broadcast_in_dim3A_77 : i32 to vector<16x256xi32>
      %slice3A_79 = vector.extract_strided_slice %add3A_76 {offsets = [0, 0], sizes = [16, 3840], strides = [1, 1]} : vector<16x4096xi32> to vector<16x3840xi32>
      %concatenate3A_80 = tpu.concatenate %broadcast_in_dim3A_78, %slice3A_79 in 1 : vector<16x256xi32>, vector<16x3840xi32> -> vector<16x4096xi32>
      %add3A_81 = arith.addi %add3A_76, %concatenate3A_80 : vector<16x4096xi32>
      %broadcast_in_dim3A_82 = arith.constant 0 : i32
      %broadcast_in_dim3A_83 = vector.broadcast %broadcast_in_dim3A_82 : i32 to vector<16x512xi32>
      %slice3A_84 = vector.extract_strided_slice %add3A_81 {offsets = [0, 0], sizes = [16, 3584], strides = [1, 1]} : vector<16x4096xi32> to vector<16x3584xi32>
      %concatenate3A_85 = tpu.concatenate %broadcast_in_dim3A_83, %slice3A_84 in 1 : vector<16x512xi32>, vector<16x3584xi32> -> vector<16x4096xi32>
      %add3A_86 = arith.addi %add3A_81, %concatenate3A_85 : vector<16x4096xi32>
      %broadcast_in_dim3A_87 = arith.constant 0 : i32
      %broadcast_in_dim3A_88 = vector.broadcast %broadcast_in_dim3A_87 : i32 to vector<16x1024xi32>
      %slice3A_89 = vector.extract_strided_slice %add3A_86 {offsets = [0, 0], sizes = [16, 3072], strides = [1, 1]} : vector<16x4096xi32> to vector<16x3072xi32>
      %concatenate3A_90 = tpu.concatenate %broadcast_in_dim3A_88, %slice3A_89 in 1 : vector<16x1024xi32>, vector<16x3072xi32> -> vector<16x4096xi32>
      %add3A_91 = arith.addi %add3A_86, %concatenate3A_90 : vector<16x4096xi32>
      %broadcast_in_dim3A_92 = arith.constant 0 : i32
      %broadcast_in_dim3A_93 = vector.broadcast %broadcast_in_dim3A_92 : i32 to vector<16x2048xi32>
      %slice3A_94 = vector.extract_strided_slice %add3A_91 {offsets = [0, 0], sizes = [16, 2048], strides = [1, 1]} : vector<16x4096xi32> to vector<16x2048xi32>
      %concatenate3A_95 = tpu.concatenate %broadcast_in_dim3A_93, %slice3A_94 in 1 : vector<16x2048xi32>, vector<16x2048xi32> -> vector<16x4096xi32>
      %add3A_96 = arith.addi %add3A_91, %concatenate3A_95 : vector<16x4096xi32>
      %iota3A_97 = tpu.iota {dimensions = array<i32: 1>} : vector<16x64xi32>
      %broadcast_in_dim3A_98 = arith.constant 0 : i32
      %broadcast_in_dim3A_99 = vector.broadcast %broadcast_in_dim3A_98 : i32 to vector<16x64xi32>
      %scan3A_100 = arith.constant 0 : i32
      %scan3A_101 = arith.constant 64 : i32
      %scan3A_102 = arith.addi %scan3A_100, %scan3A_101 : i32
      %scan3A_103 = arith.constant 1 : i32
      %scan3A_104 = scf.for %scan3A_114 = %scan3A_100 to %scan3A_102 step %scan3A_103 iter_args(%scan3A_115 = %broadcast_in_dim3A_99) -> (vector<16x64xi32>)  : i32 {
        %le3A = vector.broadcast %scan3A_114 : i32 to vector<16x4096xi32>
        %le3A_116 = arith.cmpi sle, %add3A_96, %le3A : vector<16x4096xi32>
        %convert_element_type3A_117 = arith.extui %le3A_116 : vector<16x4096xi1> to vector<16x4096xi32>
        %reduce_sum3A_118 = arith.constant dense<0> : vector<16xi32>
        %reduce_sum3A_119 = vector.multi_reduction <add>, %convert_element_type3A_117, %reduce_sum3A_118 [1] : vector<16x4096xi32> to vector<16xi32>
        %broadcast_in_dim3A_120 = vector.shape_cast %reduce_sum3A_119 : vector<16xi32> to vector<16x1xi32>
        %eq3A_121 = vector.broadcast %scan3A_114 : i32 to vector<16x64xi32>
        %eq3A_122 = arith.cmpi eq, %iota3A_97, %eq3A_121 : vector<16x64xi32>
        %convert_element_type3A_123 = arith.extui %eq3A_122 : vector<16x64xi1> to vector<16x64xi32>
        %mul3A_124 = vector.broadcast %broadcast_in_dim3A_120 : vector<16x1xi32> to vector<16x64xi32>
        %mul3A_125 = arith.muli %mul3A_124, %convert_element_type3A_123 : vector<16x64xi32>
        %add3A_126 = arith.addi %scan3A_115, %mul3A_125 : vector<16x64xi32>
        scf.yield %add3A_126 : vector<16x64xi32>
      }
      %scan3A_105 = arith.constant 64 : i32
      %iota3A_106 = tpu.iota {dimensions = array<i32: 0>} : vector<16x64xi32>
      %mul3A_107 = arith.constant 4096 : i32
      %mul3A_108 = vector.broadcast %mul3A_107 : i32 to vector<16x64xi32>
      %mul3A_109 = arith.muli %iota3A_106, %mul3A_108 : vector<16x64xi32>
      %add3A_110 = arith.addi %scan3A_104, %mul3A_109 : vector<16x64xi32>
      %swap3A_111 = arith.constant 0 : index
      %swap3A_112 = arith.constant 0 : index
      %swap3A_113 = vector.load %arg2[%swap3A_111, %swap3A_112] : memref<16x64xi32, #tpu.memory_space<vmem>>, vector<16x64xi32>
      tpu.vector_store %arg2[%swap3A_111, %swap3A_112], %add3A_110 {strides = array<i32>} : memref<16x64xi32, #tpu.memory_space<vmem>>, vector<16x64xi32>,
    } else {
    }
    return
  }
  func.func @transform_0(%arg0: i32) -> (i32, i32, i32) {
    %c0_i32 = arith.constant 0 : i32
    %c0_i32_0 = arith.constant 0 : i32
    %c0_i32_1 = arith.constant 0 : i32
    return %arg0, %c0_i32, %c0_i32_0 : i32, i32, i32
  }
  func.func @transform_1(%arg0: i32) -> (i32, i32) {
    %c0_i32 = arith.constant 0 : i32
    %c0_i32_0 = arith.constant 0 : i32
    %c0_i32_1 = arith.constant 0 : i32
    return %c0_i32, %c0_i32_0 : i32, i32
  }
}

</mosaic_0001>

<sc_bundles>
// kernel: kernel.4.cloned.1.call-start
scs
__scs_entry_jumppad:
0x0: {  	(pc) =	sbr.rel $0x88, $3  }
0x1: {  	(tag) =	ssettag $0x0;
	lr =	simm.s32 $0x1  }
0x2: {  	[smem:$0x3FA0] =	sst lr;
	_ =	strace $0xD0000000  }
0x3: {  	_ = 	snop  }
0x4: {  	_ = 	snop  }
0x5: {  	_ = 	snop  }
0x6: {  	_ = 	snop  }
0x7: {  	_ = 	snop  }
__scs_overlays_trampoline_lowered:
0x8: {  	[smem:$0x3FAF] =	sst s0  }
0x9: {  	[smem:$0x3FB0] =	sst s1  }
0xa: {  	[smem:$0x3FB1] =	sst s2  }
0xb: {  	[smem:$0x3FB2] =	sst s3  }
0xc: {  	[smem:$0x3FB3] =	sst s4  }
0xd: {  	[smem:$0x3FB4] =	sst s5  }
0xe: {  	[smem:$0x3FB5] =	sst s6  }
0xf: {  	[smem:$0x3FB6] =	sst s7  }
0x10: {  	[smem:$0x3FB7] =	sst s8  }
0x11: {  	[smem:$0x3FB8] =	sst s9;
	s0 =	simm.s32 @!p0 $0x0  }
0x12: {  	s1 =	sld [smem:$0x3F9E];
	s0 =	simm.s32 @p0 $0x1  }
0x13: {  	[smem:$0x3FB9] =	sst s0;
	s0 =	simm.s32 @!p1 $0x0  }
0x14: {  	s2 =	sld [smem:$0x3F9D];
	s0 =	simm.s32 @p1 $0x1  }
0x15: {  	[smem:$0x3FBA] =	sst s0;
	s0 =	simm.s32 @!p2 $0x0  }
0x16: {  	s3 =	sld [smem:$0x3FDB];
	s0 =	simm.s32 @p2 $0x1  }
0x17: {  	s4 =	simm.s32 $0x1BF5;
	[smem:$0x3FBC] =	sst s0  }
0x18: {  	s0 =	sld [smem:$0x3F9F];
	_ =	swait.ge [sflag:s4], $0x0  }
0x19: {  	s7 =	sld [smem:$0x3FA0]  }
0x1a: {  	s8 =	sadd.s32 $0xFFFFE003, lr  }
0x1b: {  	s9 =	sadd.s32 $0xFFFFFEF7, lr;
	s5 =	simm.s32 $0xFFFFFFFF;
	p2 =	slt.u32 s8, $0xFFFFF086  }
0x1c: {  	p1 =	slt.u32 s9, $0xF7A;
	s5 =	simm.s32 @!p2 $0x0  }
0x1d: {  	s5 =	simm.s32 @p1 $0x1;
	p0 =	seq.s32 s7, s2  }
0x1e: {  	s7 =	smul.u32 @!p0 $0xF7A, s2;
	p2 =	seq.s32 @!p0 s5, $0x0  }
0x1f: {  	s9 =	smul.u32 $0xF7A, s1;
	s8 =	simm.s32 @!p0 $0x1BF5;
	p2 =	por !p2, p0  }
0x20: {  	[sflag:s8] =	ssyncset.s32 @!p0 $0xFFFFF086;
	s6 =	sadd.s32 @!p0 s3, s7;
	s7 =	simm.s32 @!p0 $0x108  }
0x21: {  	s3 =	sadd.s32 s3, s9;
	s6 =	sadd.s32 @!p0 $0x88, s6;
	s7 =	simm.s32 @p2 $0x1082  }
0x22: {  	[simem:s7], [sflag:s8] =	dma.local @!p0 [hbm:s6], $0xF7A  }
0x23: {  	s9 =	sor.u32 $0xD0000000, s2;
	s6 =	simm.s32 $0x108;
	_ =	swait.ge @!p0 [sflag:s8], $0x0  }
0x24: {  	s3 =	sadd.s32 $0x88, s3;
	s6 =	simm.s32 @!p1 $0x1082;
	[sflag:s4] =	ssyncset.s32 $0xFFFFF086  }
0x25: {  	[simem:s6], [sflag:s4] =	dma.local [hbm:s3], $0xF7A  }
0x26: {  	[smem:$0x3FA0] =	sst s1;
	(tag) =	ssettag s2;
	_ =	strace s9  }
0x27: {  	s1 =	sld [smem:$0x3FB0]  }
0x28: {  	s2 =	sld [smem:$0x3FB1]  }
0x29: {  	s4 =	sld [smem:$0x3FB3]  }
0x2a: {  	p0 =	seq.s32 s5, $0x0;
	s5 =	sld [smem:$0x3FB4]  }
0x2b: {  	s6 =	sld [smem:$0x3FB5]  }
0x2c: {  	s7 =	sld [smem:$0x3FB6]  }
0x2d: {  	s3 =	simm.s32 $0x108;
	s8 =	sld [smem:$0x3FB7]  }
0x2e: {  	s3 =	simm.s32 @!p0 $0x1082;
	s9 =	sld [smem:$0x3FB8]  }
0x2f: {  	lr =	sadd.s32 s0, s3;
	s0 =	sld [smem:$0x3FAF]  }
0x30: {  	s3 =	sld [smem:$0x3FB2]  }
0x31: {  	[smem:$0x3FBB] =	sst s10  }
0x32: {  	s10 =	sld [smem:$0x3FB9];
	_ =	sdelay $0x3  }
0x33: {  	p0 =	seq.s32 s10, $0x1;
	s10 =	sld [smem:$0x3FBB];
	_ =	sdelay $0x3  }
0x34: {  	[smem:$0x3FBB] =	sst s10  }
0x35: {  	s10 =	sld [smem:$0x3FBA];
	_ =	sdelay $0x3  }
0x36: {  	p1 =	seq.s32 s10, $0x1;
	s10 =	sld [smem:$0x3FBB];
	_ =	sdelay $0x3  }
0x37: {  	[smem:$0x3FBB] =	sst s10  }
0x38: {  	s10 =	sld [smem:$0x3FBC]  }
0x39: {  	_ = 	snop;
	(pc) =	sbr.ind lr, $3  }
0x3a: {  	_ = 	snop  }
0x3b: {  	_ = 	snop  }
0x3c: {  	p2 =	seq.s32 s10, $0x1;
	s10 =	sld [smem:$0x3FBB]  }
0x3d: {  	_ =	shalt  }
0x3e: {  	_ =	shalt  }
0x3f: {  	_ =	shalt  }
0x40: {  	_ =	shalt  }
0x41: {  	_ =	shalt  }
0x42: {  	_ =	shalt  }
0x43: {  	_ =	shalt  }
0x44: {  	_ =	shalt  }
0x45: {  	_ =	shalt  }
0x46: {  	_ =	shalt  }
0x47: {  	_ =	shalt  }
0x48: {  	_ =	shalt  }
0x49: {  	_ =	shalt  }
0x4a: {  	_ =	shalt  }
0x4b: {  	_ =	shalt  }
0x4c: {  	_ =	shalt  }
0x4d: {  	_ =	shalt  }
0x4e: {  	_ =	shalt  }
0x4f: {  	_ =	shalt  }
0x50: {  	_ =	shalt  }
0x51: {  	_ =	shalt  }
0x52: {  	_ =	shalt  }
0x53: {  	_ =	shalt  }
0x54: {  	_ =	shalt  }
0x55: {  	_ =	shalt  }
0x56: {  	_ =	shalt  }
0x57: {  	_ =	shalt  }
0x58: {  	_ =	shalt  }
0x59: {  	_ =	shalt  }
0x5a: {  	_ =	shalt  }
0x5b: {  	_ =	shalt  }
0x5c: {  	_ =	shalt  }
0x5d: {  	_ =	shalt  }
0x5e: {  	_ =	shalt  }
0x5f: {  	_ =	shalt  }
0x60: {  	_ =	shalt  }
0x61: {  	_ =	shalt  }
0x62: {  	_ =	shalt  }
0x63: {  	_ =	shalt  }
0x64: {  	_ =	shalt  }
0x65: {  	_ =	shalt  }
0x66: {  	_ =	shalt  }
0x67: {  	_ =	shalt  }
0x68: {  	_ =	shalt  }
0x69: {  	_ =	shalt  }
0x6a: {  	_ =	shalt  }
0x6b: {  	_ =	shalt  }
0x6c: {  	_ =	shalt  }
0x6d: {  	_ =	shalt  }
0x6e: {  	_ =	shalt  }
0x6f: {  	_ =	shalt  }
0x70: {  	_ =	shalt  }
0x71: {  	_ =	shalt  }
0x72: {  	_ =	shalt  }
0x73: {  	_ =	shalt  }
0x74: {  	_ =	shalt  }
0x75: {  	_ =	shalt  }
0x76: {  	_ =	shalt  }
0x77: {  	_ =	shalt  }
0x78: {  	_ =	shalt  }
0x79: {  	_ =	shalt  }
0x7a: {  	_ =	shalt  }
0x7b: {  	_ =	shalt  }
0x7c: {  	_ =	shalt  }
0x7d: {  	_ =	shalt  }
0x7e: {  	_ =	shalt  }
0x7f: {  	_ =	shalt  }
0x80: {  	_ =	shalt  }
0x81: {  	_ =	shalt  }
0x82: {  	_ =	shalt  }
0x83: {  	_ =	shalt  }
0x84: {  	_ =	shalt  }
0x85: {  	_ =	shalt  }
0x86: {  	_ =	shalt  }
0x87: {  	_ =	shalt  }
.Lfunc_end0:
.L_simem_size_0:
called_computation_lowered:
.L_overlay_start_0:
0x88: {  	s2 =	sld [smem:$0x3FD9]  }
0x89: {  	s3 =	sld [smem:$0x3FFE];
	_ =	sdelay $0x1  }
0x8a: {  	s1 =	srdreg.scid  }
0x8b: {  	s0 =	sand.u32 $0x1, s1  }
0x8c: {  	s17 =	sshll.u32 s0, $0xA;
	s2 =	sadd.s32 s3, s2  }
0x8d: {  	s2 =	sadd.s32 s2, s17  }
0x8e: {  	[smem:$0x3FC7] =	sst s2  }
0x8f: {  	_ = 	snop  }
0x90: {  	s2 =	sld [smem:$0x3FC9]  }
0x91: {  	s18 =	sld [smem:$0x3FD0];
	(tm) =	ssettm $0x1  }
0x92: {  	s4 =	sld [smem:$0x3FFB];
	_ =	sdelay $0x3  }
0x93: {  	_ =	strace s4  }
0x94: {  	s4 =	sld [smem:$0x3FFC];
	_ =	sdelay $0x3  }
0x95: {  	_ =	strace s4  }
0x96: {  	s4 =	sld [smem:$0x3FFD];
	_ =	sdelay $0x3  }
0x97: {  	_ =	strace s4  }
0x98: {  	_ =	strace $0x8FFFFFFF  }
0x99: {  	s19 =	sld [smem:$0x3FDB];
	_ =	sdelay $0x1  }
0x9a: {  	s5 =	simm.s32 $_scs_section_size  }
0x9b: {  	s6 =	simm.s32 $_size__tile_overlayer_lowered;
	s7 =	simm.s32 $_tile_overlayer_lowered  }
0x9c: {  	s22 =	simm.s32 $0x1BFF;
	s21 =	sshll.u32 s7, $0x1;
	s4 =	sadd.s32 s5, s19  }
0x9d: {  	s8 =	simm.s32 $0x0;
	s20 =	sshll.u32 s6, $0x1;
	s6 =	sadd.s32 s21, s4  }
0x9e: {  	[timem:s8], [sflag:s22] =	dma.local [hbm:s6], s20  }
0x9f: {  	_ =	swait.ge [sflag:s22], s20  }
0xa0: {  	s5 =	ssub.s32 $0x0, s20;
	[sflag:s22] =	ssyncset.done $0x0  }
0xa1: {  	[sflag:s22] =	ssyncadd.s32 s5;
	_ =	sdelay $0x1  }
0xa2: {  	s23 =	simm.s32 $0x1B8B  }
0xa3: {  	_ =	swait.ge [sflag:s23], $0x1  }
0xa4: {  	[sflag:s23] =	ssyncset.done $0x0  }
0xa5: {  	s25 =	simm.s32 $0x1B8E;
	s24 =	sld [smem:$0x3FFE];
	[sflag:s23] =	ssyncadd.s32 $0xFFFFFFFF  }
0xa6: {  	s26 =	simm.s32 $execute0_lowered;
	[smem:$0x3FD2] =	sst s25  }
0xa7: {  	s6 =	sshll.u32 s26, $0x1;
	_ =	strace $0x80000046;
	[dreg:$0x1] =	wrdreg $0xFFFFFFFF  }
0xa8: {  	s28 =	simm.s32 $_size_execute0_lowered;
	s4 =	sadd.s32 s4, s6;
	[dreg:$0x0] =	wrdreg $0x0  }
0xa9: {  	s6 =	sshll.u32 s28, $0x1;
	[dreg:$0x2] =	wrdreg s4  }
0xaa: {  	[dreg:$0x3] =	wrdreg s6  }
0xab: {  	[dreg:$0x4] =	wrdreg $0xC0  }
0xac: {  	_ =	task [dreg:s8], $0x5FFFF  }
0xad: {  	[dreg:$0x1] =	wrdreg $0xFFFFFFFF  }
0xae: {  	[dreg:$0x0] =	wrdreg $0x60  }
0xaf: {  	[dreg:$0x2] =	wrdreg s24  }
0xb0: {  	[dreg:$0x3] =	wrdreg s2  }
0xb1: {  	[dreg:$0x4] =	wrdreg s18  }
0xb2: {  	[dreg:$0x5] =	wrdreg $0x9  }
0xb3: {  	_ =	task.clear_ibuf [dreg:s8], $0x6FFFF;
	_ =	strace $0x90000046  }
0xb4: {  	s29 =	simm.s32 $0x9;
	_ =	strace $0x80000048  }
0xb5: {  	_ =	swait.ge [sflag:s29], $0x1  }
0xb6: {  	[sflag:s29] =	ssyncadd.s32 $0xFFFFFFFF  }
0xb7: {  	_ =	strace $0x90000048  }
0xb8: {  	_ =	sfence  }
0xb9: {  	s30 =	sld [smem:$0x0];
	_ =	sdelay $0x2  }
0xba: {  	s31 =	sshll.u32 s1, $0xD;
	s1 =	sshrl.u32 s1, $0x2  }
0xbb: {  	s3 =	sand.u32 $0x4000, s31;
	s1 =	sadd.s32 s1, s30  }
0xbc: {  	s0 =	sor.u32 s3, s0;
	s1 =	sshll.u32 s1, $0x11  }
0xbd: {  	s0 =	sor.u32 s1, s0  }
0xbe: {  	s0 =	sadd.s32 $0x8F2B, s0  }
0xbf: {  	[sflag:s0] =	ssyncadd.remote.s32 $0x1  }
0xc0: {  	_ =	sfence.sel $0xFFFF  }
0xc1: {  	[dreg:$0x0] =	wrdreg $0xFFFFFFFF;
	(pc) =	sbr.abs _section_cstart, $3  }
0xc2: {  	[dreg:$0x1] =	wrdreg $0xFFFFFFFF  }
0xc3: {  	_ =	task.clear_ibuf [dreg:s8], $0x2FFFF;
	_ =	strace $0x9FFFFFFF  }
0xc4: {  	(tm) =	ssettm $0x7FFFFFFF  }
0xc5: {  	_ =	shalt  }
tec
execute0_lowered:
.L_overlay_start_1:
0x0: {  	(tag) =	ssettag $0x1  }
0x1: {  	s1 =	stileid.u32  }
0x2: {  	p0 =	sgt.u32 s1, $0x7  }
.Ltmp0:
0x3: {  	_ = 	snop;
	(pc) =	sbr.rel @p0 .LBB2_5-.Ltmp0, $4  }
0x4: {  	s0 =	rddreg [dreg:$0x0]  }
0x5: {  	s2 =	rddreg [dreg:$0x1];
	s3 =	simm.s32 $0x0  }
0x6: {  	[smem:$0x7FF] =	sst s3  }
0x7: {  	s5 =	rddreg [dreg:$0x2];
	_ =	strace $0x80000047  }
0x8: {  	s1 =	srdreg.scid;
	s7 =	stileid.u32;
	s0 =	sadd.s32 $0x400, s0  }
0x9: {  	s9 =	simm.s32 $0x80;
	s10 =	simm.s32 $0x880;
	s11 =	simm.s32 $0x1080  }
0xa: {  	s12 =	simm.s32 $0x1880;
	s13 =	simm.s32 $0x2080;
	s14 =	simm.s32 $0x2880  }
0xb: {  	s15 =	simm.s32 $0x3080;
	s16 =	simm.s32 $0x3880;
	s17 =	simm.s32 $0x4080  }
0xc: {  	s18 =	simm.s32 $0x4880;
	s19 =	simm.s32 $0x5080;
	s20 =	simm.s32 $0x5880  }
0xd: {  	s21 =	simm.s32 $0x6080;
	s22 =	simm.s32 $0x6880;
	s23 =	simm.s32 $0x7080  }
0xe: {  	s24 =	simm.s32 $0x7880;
	s25 =	simm.s32 $0x1;
	s26 =	simm.s32 $0x400  }
0xf: {  	s28 =	simm.s32 $0x8080;
	s1 =	sand.u32 $0x1, s1;
	s4 =	sshll.u32 s7, $0x1  }
0x10: {  	s7 =	sshll.u32 s7, $0x7;
	s6 =	sor.u32 s1, s4;
	s4 =	sadd.s32 $0x100, s2  }
0x11: {  	v2 =	vlaneseq.u32;
	s7 =	sand.u32 $0x200, s7;
	s1 =	ssub.s32 $0x2, s1;
	s8 =	sshll.u32 s6, $0x4  }
0x12: {  	v0 =	vand.u32 $0x7, v2;
	s5 =	sadd.s32 s5, s7;
	s31 =	sshrl.u32 s1, $0x1;
	s6 =	sshll.u32 s6, $0x3  }
0x13: {  	v1 =	vshrl.u32 v2, $0x3;
	v63 =	vor.u32 $0x8, v2;
	[tilespmem:$0x1FFE0] =	vst v0;
	s8 =	sand.u32 $0x70, s8;
	s1 =	ssub.s32 s1, s31;
	s6 =	sadd.s32 s0, s6  }
0x14: {  	vm0 =	vmmov $0xffff;
	v41 =	vmul.u32 $0x8, v1;
	[tilespmem:$0x1FFF0] =	vst v63;
	s5 =	sadd.s32 s8, s5;
	s7 =	smax.u32 s1, $0x1;
	s8 =	simm.s32 $0x2  }
.LBB2_2:
0x15: {  	s0 =	simm.s32 $0x0  }
0x16: {  	[tilespmem:s0], [sflag:$0x2] =	stream.linear.gather [hbm4b:s6+s0], $0x40, $0x38;
	[tilespmem:$0x8280] =	vst v63  }
0x17: {  	_ =	swait.ge [sflag:s8], $0x40  }
0x18: {  	[sflag:s8] =	ssyncset.done $0x0  }
0x19: {  	[sflag:s8] =	ssyncadd.s32 $0xFFFFFFC0  }
0x1a: {  	v3 =	vld [tilespmem:$0x0];
	_ =	sdelay $0x2  }
0x1b: {  	v0 =	vld [tilespmem:$0x1FFE0];
	_ =	sdelay $0x1  }
0x1c: {  	v4 =	vshll.u32 v3, $0x2  }
0x1d: {  	v3 =	vand.u32 $0x7, v3;
	v4 =	vand.u32 $0xFFFFFFE0, v4  }
0x1e: {  	v1 =	vld [tilespmem:$0x1FFF0];
	v3 =	vor.u32 v3, v4  }
0x1f: {  	v4 =	vperm.xlane v3, v0;
	_ =	sdelay $0x1  }
0x20: {  	v4 =	vadd.s32 v41, v4;
	_ =	sdelay $0x1  }
0x21: {  	v3 =	vperm.xlane v3, v1;
	_ =	sdelay $0x1  }
0x22: {  	v3 =	vadd.s32 v41, v3  }
0x23: {  	[tilespmem:s9], [sflag:$0x1] =	stream.indirect_vreg.gather [hbm4b:s2+s0], $0x80, v4, vm0, $0xb8;
	[tilespmem:$0x8280] =	vst v63  }
0x24: {  	_ = 	snop  }
0x25: {  	[tilespmem:s10], [sflag:$0x1] =	stream.indirect_vreg.gather [hbm4b:s4+s0], $0x80, v4, vm0, $0xb8;
	[tilespmem:$0x8280] =	vst v63  }
0x26: {  	_ = 	snop  }
0x27: {  	[tilespmem:s11], [sflag:$0x1] =	stream.indirect_vreg.gather [hbm4b:s2+s0], $0x80, v3, vm0, $0xb8;
	[tilespmem:$0x8280] =	vst v63  }
0x28: {  	_ = 	snop  }
0x29: {  	[tilespmem:s12], [sflag:$0x1] =	stream.indirect_vreg.gather [hbm4b:s4+s0], $0x80, v3, vm0, $0xb8;
	[tilespmem:$0x8280] =	vst v63  }
0x2a: {  	v3 =	vld [tilespmem:$0x10];
	_ =	sdelay $0x4  }
0x2b: {  	v4 =	vshll.u32 v3, $0x2  }
0x2c: {  	v3 =	vand.u32 $0x7, v3;
	v4 =	vand.u32 $0xFFFFFFE0, v4  }
0x2d: {  	v3 =	vor.u32 v3, v4  }
0x2e: {  	v4 =	vperm.xlane v3, v0;
	_ =	sdelay $0x1  }
0x2f: {  	v4 =	vadd.s32 v41, v4;
	_ =	sdelay $0x1  }
0x30: {  	v3 =	vperm.xlane v3, v1;
	_ =	sdelay $0x1  }
0x31: {  	v3 =	vadd.s32 v41, v3  }
0x32: {  	[tilespmem:s13], [sflag:$0x1] =	stream.indirect_vreg.gather [hbm4b:s2+s0], $0x80, v4, vm0, $0xb8;
	[tilespmem:$0x8280] =	vst v63  }
0x33: {  	_ = 	snop  }
0x34: {  	[tilespmem:s14], [sflag:$0x1] =	stream.indirect_vreg.gather [hbm4b:s4+s0], $0x80, v4, vm0, $0xb8;
	[tilespmem:$0x8280] =	vst v63  }
0x35: {  	_ = 	snop  }
0x36: {  	[tilespmem:s15], [sflag:$0x1] =	stream.indirect_vreg.gather [hbm4b:s2+s0], $0x80, v3, vm0, $0xb8;
	[tilespmem:$0x8280] =	vst v63  }
0x37: {  	_ = 	snop  }
0x38: {  	[tilespmem:s16], [sflag:$0x1] =	stream.indirect_vreg.gather [hbm4b:s4+s0], $0x80, v3, vm0, $0xb8;
	[tilespmem:$0x8280] =	vst v63  }
0x39: {  	v3 =	vld [tilespmem:$0x20];
	_ =	sdelay $0x4  }
0x3a: {  	v4 =	vshll.u32 v3, $0x2  }
0x3b: {  	v3 =	vand.u32 $0x7, v3;
	v4 =	vand.u32 $0xFFFFFFE0, v4  }
0x3c: {  	v3 =	vor.u32 v3, v4  }
0x3d: {  	v4 =	vperm.xlane v3, v0;
	_ =	sdelay $0x1  }
0x3e: {  	v4 =	vadd.s32 v41, v4;
	_ =	sdelay $0x1  }
0x3f: {  	v3 =	vperm.xlane v3, v1;
	_ =	sdelay $0x1  }
0x40: {  	v3 =	vadd.s32 v41, v3  }
0x41: {  	[tilespmem:s17], [sflag:$0x1] =	stream.indirect_vreg.gather [hbm4b:s2+s0], $0x80, v4, vm0, $0xb8;
	[tilespmem:$0x8280] =	vst v63  }
0x42: {  	_ = 	snop  }
0x43: {  	[tilespmem:s18], [sflag:$0x1] =	stream.indirect_vreg.gather [hbm4b:s4+s0], $0x80, v4, vm0, $0xb8;
	[tilespmem:$0x8280] =	vst v63  }
0x44: {  	_ = 	snop  }
0x45: {  	[tilespmem:s19], [sflag:$0x1] =	stream.indirect_vreg.gather [hbm4b:s2+s0], $0x80, v3, vm0, $0xb8;
	[tilespmem:$0x8280] =	vst v63  }
0x46: {  	_ = 	snop  }
0x47: {  	[tilespmem:s20], [sflag:$0x1] =	stream.indirect_vreg.gather [hbm4b:s4+s0], $0x80, v3, vm0, $0xb8;
	[tilespmem:$0x8280] =	vst v63  }
0x48: {  	v3 =	vld [tilespmem:$0x30];
	_ =	sdelay $0x4  }
0x49: {  	v4 =	vshll.u32 v3, $0x2  }
0x4a: {  	v3 =	vand.u32 $0x7, v3;
	v4 =	vand.u32 $0xFFFFFFE0, v4  }
0x4b: {  	v3 =	vor.u32 v3, v4  }
0x4c: {  	v4 =	vperm.xlane v3, v0;
	_ =	sdelay $0x1  }
0x4d: {  	v4 =	vadd.s32 v41, v4;
	_ =	sdelay $0x1  }
0x4e: {  	v3 =	vperm.xlane v3, v1;
	_ =	sdelay $0x1  }
0x4f: {  	v3 =	vadd.s32 v41, v3  }
0x50: {  	[tilespmem:s21], [sflag:$0x1] =	stream.indirect_vreg.gather [hbm4b:s2+s0], $0x80, v4, vm0, $0xb8;
	[tilespmem:$0x8280] =	vst v63  }
0x51: {  	_ = 	snop  }
0x52: {  	[tilespmem:s22], [sflag:$0x1] =	stream.indirect_vreg.gather [hbm4b:s4+s0], $0x80, v4, vm0, $0xb8;
	[tilespmem:$0x8280] =	vst v63  }
0x53: {  	_ = 	snop  }
0x54: {  	[tilespmem:s23], [sflag:$0x1] =	stream.indirect_vreg.gather [hbm4b:s2+s0], $0x80, v3, vm0, $0xb8;
	[tilespmem:$0x8280] =	vst v63  }
0x55: {  	_ = 	snop  }
0x56: {  	[tilespmem:s24], [sflag:$0x1] =	stream.indirect_vreg.gather [hbm4b:s4+s0], $0x80, v3, vm0, $0xb8;
	[tilespmem:$0x8280] =	vst v63  }
0x57: {  	_ =	swait.ge [sflag:s25], $0x8000  }
0x58: {  	s1 =	sand.u32 $0x7000, s0;
	s0 =	sand.u32 $0x380, s0;
	[sflag:s25] =	ssyncset.done $0x0  }
0x59: {  	s29 =	sor.u32 s0, s1;
	[sflag:s25] =	ssyncadd.s32 $0xFFFF8000  }
0x5a: {  	v3 =	vld [tilespmem:s29+$0xCF0]  }
0x5b: {  	v5 =	vld [tilespmem:s29+$0x80]  }
0x5c: {  	v6 =	vld [tilespmem:s29+$0x90]  }
0x5d: {  	v7 =	vld [tilespmem:s29+$0xA0]  }
0x5e: {  	v8 =	vld [tilespmem:s29+$0xB0]  }
0x5f: {  	v9 =	vld [tilespmem:s29+$0xC0]  }
0x60: {  	v10 =	vld [tilespmem:s29+$0xD0]  }
0x61: {  	v11 =	vld [tilespmem:s29+$0xE0]  }
0x62: {  	v12 =	vld [tilespmem:s29+$0xF0]  }
0x63: {  	v13 =	vld [tilespmem:s29+$0x480]  }
0x64: {  	v14 =	vld [tilespmem:s29+$0x490]  }
0x65: {  	v15 =	vld [tilespmem:s29+$0x4A0]  }
0x66: {  	v16 =	vld [tilespmem:s29+$0x4B0]  }
0x67: {  	v17 =	vld [tilespmem:s29+$0x4C0]  }
0x68: {  	v18 =	vld [tilespmem:s29+$0x4D0]  }
0x69: {  	v19 =	vld [tilespmem:s29+$0x4E0]  }
0x6a: {  	v4 =	vimm.f32 $0.0e+00;
	v35 =	vld [tilespmem:s29+$0x4F0]  }
0x6b: {  	v36 =	vld [tilespmem:s29+$0x880];
	v3 =	vadd.f32 v3, v4  }
0x6c: {  	v34 =	vadd.f32 v5, v4;
	v32 =	vadd.f32 v6, v4;
	v5 =	vld [tilespmem:s29+$0x890]  }
0x6d: {  	v33 =	vadd.f32 v7, v4;
	v31 =	vadd.f32 v8, v4;
	v6 =	vld [tilespmem:s29+$0x8A0]  }
0x6e: {  	v30 =	vadd.f32 v9, v4;
	v29 =	vadd.f32 v10, v4;
	v7 =	vld [tilespmem:s29+$0x8B0]  }
0x6f: {  	v28 =	vadd.f32 v11, v4;
	v27 =	vadd.f32 v12, v4;
	v8 =	vld [tilespmem:s29+$0x8C0]  }
0x70: {  	v26 =	vadd.f32 v13, v4;
	v25 =	vadd.f32 v14, v4;
	v9 =	vld [tilespmem:s29+$0x8D0]  }
0x71: {  	v24 =	vadd.f32 v15, v4;
	v23 =	vadd.f32 v16, v4;
	v10 =	vld [tilespmem:s29+$0x8E0]  }
0x72: {  	v22 =	vadd.f32 v17, v4;
	v21 =	vadd.f32 v18, v4;
	v11 =	vld [tilespmem:s29+$0x8F0]  }
0x73: {  	v39 =	vld [tilespmem:s29+$0xC80];
	v20 =	vadd.f32 v19, v4;
	v19 =	vadd.f32 v35, v4  }
0x74: {  	v18 =	vadd.f32 v36, v4;
	v17 =	vadd.f32 v5, v4  }
0x75: {  	v38 =	vld [tilespmem:s29+$0xC90];
	v16 =	vadd.f32 v6, v4;
	v15 =	vadd.f32 v7, v4  }
0x76: {  	v37 =	vld [tilespmem:s29+$0xCA0];
	v14 =	vadd.f32 v8, v4;
	v13 =	vadd.f32 v9, v4  }
0x77: {  	v36 =	vld [tilespmem:s29+$0xCB0];
	v12 =	vadd.f32 v10, v4;
	v9 =	vadd.f32 v11, v4  }
0x78: {  	s30 =	simm.s32 $0x80;
	s1 =	simm.s32 $0x200;
	v35 =	vld [tilespmem:s29+$0xCC0];
	v10 =	vadd.f32 v39, v4;
	v11 =	vimm.f32 $0.0e+00;
	v7 =	vimm.f32 $0.0e+00  }
0x79: {  	s31 =	simm.s32 $0x400;
	s0 =	sand.u32 $0x7000, s1;
	s1 =	sand.u32 $0x380, s30;
	v39 =	vld [tilespmem:s29+$0xCD0];
	v8 =	vimm.f32 $0.0e+00;
	v6 =	vimm.f32 $0.0e+00;
	v5 =	vimm.f32 $0.0e+00  }
.LBB2_3:
0x7a: {  	p0 =	sne.s32 s31, $0x7E00;
	v4 =	vadd.f32 v38, v4;
	v38 =	vld [tilespmem:s29+$0xCE0];
	s29 =	sor.u32 s1, s0  }
0x7b: {  	v40 =	vld [tilespmem:s29+$0xCF0];
	v11 =	vadd.f32 v37, v11  }
0x7c: {  	v37 =	vld [tilespmem:s29+$0x80];
	v7 =	vadd.f32 v36, v7  }
0x7d: {  	v36 =	vld [tilespmem:s29+$0x90];
	v8 =	vadd.f32 v35, v8  }
0x7e: {  	v35 =	vld [tilespmem:s29+$0xA0];
	v6 =	vadd.f32 v39, v6  }
0x7f: {  	v39 =	vld [tilespmem:s29+$0xB0];
	v5 =	vadd.f32 v38, v5  }
0x80: {  	v38 =	vld [tilespmem:s29+$0xC0];
	v3 =	vadd.f32 v40, v3  }
0x81: {  	v34 =	vadd.f32 v37, v34;
	v37 =	vld [tilespmem:s29+$0xD0]  }
0x82: {  	v32 =	vadd.f32 v36, v32;
	v36 =	vld [tilespmem:s29+$0xE0]  }
0x83: {  	v33 =	vadd.f32 v35, v33;
	v35 =	vld [tilespmem:s29+$0xF0]  }
0x84: {  	v31 =	vadd.f32 v39, v31;
	v39 =	vld [tilespmem:s29+$0x480]  }
0x85: {  	v30 =	vadd.f32 v38, v30;
	v38 =	vld [tilespmem:s29+$0x490]  }
0x86: {  	v29 =	vadd.f32 v37, v29;
	v37 =	vld [tilespmem:s29+$0x4A0]  }
0x87: {  	v28 =	vadd.f32 v36, v28;
	v36 =	vld [tilespmem:s29+$0x4B0]  }
0x88: {  	v27 =	vadd.f32 v35, v27;
	v35 =	vld [tilespmem:s29+$0x4C0]  }
0x89: {  	v26 =	vadd.f32 v39, v26;
	v39 =	vld [tilespmem:s29+$0x4D0]  }
0x8a: {  	v25 =	vadd.f32 v38, v25;
	v38 =	vld [tilespmem:s29+$0x4E0]  }
0x8b: {  	v24 =	vadd.f32 v37, v24;
	v37 =	vld [tilespmem:s29+$0x4F0]  }
0x8c: {  	v23 =	vadd.f32 v36, v23;
	v36 =	vld [tilespmem:s29+$0x880]  }
0x8d: {  	v22 =	vadd.f32 v35, v22;
	v35 =	vld [tilespmem:s29+$0x890]  }
0x8e: {  	v21 =	vadd.f32 v39, v21;
	v39 =	vld [tilespmem:s29+$0x8A0]  }
0x8f: {  	v20 =	vadd.f32 v38, v20;
	v38 =	vld [tilespmem:s29+$0x8B0]  }
0x90: {  	v19 =	vadd.f32 v37, v19;
	v37 =	vld [tilespmem:s29+$0x8C0]  }
0x91: {  	v18 =	vadd.f32 v36, v18;
	v36 =	vld [tilespmem:s29+$0x8D0]  }
0x92: {  	v17 =	vadd.f32 v35, v17;
	v35 =	vld [tilespmem:s29+$0x8E0]  }
0x93: {  	v16 =	vadd.f32 v39, v16;
	v39 =	vld [tilespmem:s29+$0x8F0]  }
0x94: {  	v15 =	vadd.f32 v38, v15;
	v40 =	vld [tilespmem:s29+$0xC80]  }
.Ltmp1:
0x95: {  	v14 =	vadd.f32 v37, v14;
	v38 =	vld [tilespmem:s29+$0xC90];
	(pc) =	sbr.rel @p0 .LBB2_3-.Ltmp1, $4  }
0x96: {  	v13 =	vadd.f32 v36, v13;
	v37 =	vld [tilespmem:s29+$0xCA0]  }
0x97: {  	v12 =	vadd.f32 v35, v12;
	v36 =	vld [tilespmem:s29+$0xCB0]  }
0x98: {  	s30 =	sadd.s32 $0x80, s30;
	v9 =	vadd.f32 v39, v9;
	v35 =	vld [tilespmem:s29+$0xCC0]  }
0x99: {  	s0 =	sand.u32 $0x7000, s31;
	s31 =	sadd.s32 $0x200, s31;
	s1 =	sand.u32 $0x380, s30;
	v10 =	vadd.f32 v40, v10;
	v39 =	vld [tilespmem:s29+$0xCD0]  }
0x9a: {  	s0 =	sor.u32 s1, s0;
	v0 =	vld [tilespmem:s29+$0xCE0]  }
0x9b: {  	v63 =	vld [tilespmem:s0+$0xCF0]  }
0x9c: {  	v42 =	vld [tilespmem:s0+$0x80]  }
0x9d: {  	v43 =	vld [tilespmem:s0+$0x90]  }
0x9e: {  	v44 =	vld [tilespmem:s0+$0xA0]  }
0x9f: {  	v45 =	vld [tilespmem:s0+$0xB0]  }
0xa0: {  	v46 =	vld [tilespmem:s0+$0xC0]  }
0xa1: {  	v47 =	vld [tilespmem:s0+$0xD0]  }
0xa2: {  	v48 =	vld [tilespmem:s0+$0xE0]  }
0xa3: {  	v49 =	vld [tilespmem:s0+$0xF0]  }
0xa4: {  	v50 =	vld [tilespmem:s0+$0x480]  }
0xa5: {  	v51 =	vld [tilespmem:s0+$0x490]  }
0xa6: {  	v52 =	vld [tilespmem:s0+$0x4A0]  }
0xa7: {  	v53 =	vld [tilespmem:s0+$0x4B0]  }
0xa8: {  	v54 =	vld [tilespmem:s0+$0x4C0]  }
0xa9: {  	v55 =	vld [tilespmem:s0+$0x4D0]  }
0xaa: {  	v56 =	vld [tilespmem:s0+$0x4E0]  }
0xab: {  	v57 =	vld [tilespmem:s0+$0x4F0]  }
0xac: {  	v58 =	vld [tilespmem:s0+$0x880]  }
0xad: {  	v59 =	vld [tilespmem:s0+$0x890]  }
0xae: {  	v60 =	vld [tilespmem:s0+$0x8A0]  }
0xaf: {  	v40 =	vld [tilespmem:s0+$0xC90]  }
0xb0: {  	v61 =	vld [tilespmem:s0+$0x8B0]  }
0xb1: {  	v62 =	vld [tilespmem:s0+$0x8C0]  }
0xb2: {  	v2 =	vld [tilespmem:s0+$0x8F0]  }
0xb3: {  	v1 =	vld [tilespmem:s0+$0xC80]  }
0xb4: {  	[tilespmem:$0x1FFA0] =	vst v40;
	v40 =	vld [tilespmem:s0+$0xCA0]  }
0xb5: {  	[tilespmem:$0x1FFC0] =	vst v0;
	v0 =	vld [tilespmem:s0+$0x8E0]  }
0xb6: {  	[tilespmem:$0x1FFD0] =	vst v63;
	v63 =	vld [tilespmem:s0+$0x8D0];
	v34 =	vadd.f32 v42, v34  }
0xb7: {  	v42 =	vld [tilespmem:s0+$0xCB0];
	v32 =	vadd.f32 v43, v32  }
0xb8: {  	v43 =	vld [tilespmem:s0+$0xCC0];
	v33 =	vadd.f32 v44, v33;
	v34 =	vmul.f32 $1.562500000e-02, v34  }
0xb9: {  	v44 =	vld [tilespmem:s0+$0xCD0];
	v31 =	vadd.f32 v45, v31;
	v32 =	vmul.f32 $1.562500000e-02, v32;
	[tilespmem:$0x1FFB0] =	vst v40  }
0xba: {  	v30 =	vadd.f32 v46, v30;
	v33 =	vmul.f32 $1.562500000e-02, v33;
	v40 =	vld [tilespmem:s0+$0xCE0];
	[tilespmem:$0x8080] =	vst v34  }
0xbb: {  	v29 =	vadd.f32 v47, v29;
	v31 =	vmul.f32 $1.562500000e-02, v31;
	[tilespmem:$0x8090] =	vst v32  }
0xbc: {  	v28 =	vadd.f32 v48, v28;
	v30 =	vmul.f32 $1.562500000e-02, v30;
	[tilespmem:$0x80A0] =	vst v33  }
0xbd: {  	v27 =	vadd.f32 v49, v27;
	v29 =	vmul.f32 $1.562500000e-02, v29;
	[tilespmem:$0x80B0] =	vst v31  }
0xbe: {  	v26 =	vadd.f32 v50, v26;
	v28 =	vmul.f32 $1.562500000e-02, v28;
	[tilespmem:$0x80C0] =	vst v30  }
0xbf: {  	v25 =	vadd.f32 v51, v25;
	v27 =	vmul.f32 $1.562500000e-02, v27;
	[tilespmem:$0x80D0] =	vst v29  }
0xc0: {  	v24 =	vadd.f32 v52, v24;
	v26 =	vmul.f32 $1.562500000e-02, v26;
	[tilespmem:$0x80E0] =	vst v28  }
0xc1: {  	v23 =	vadd.f32 v53, v23;
	v25 =	vmul.f32 $1.562500000e-02, v25;
	[tilespmem:$0x80F0] =	vst v27  }
0xc2: {  	v22 =	vadd.f32 v54, v22;
	v24 =	vmul.f32 $1.562500000e-02, v24;
	[tilespmem:$0x8100] =	vst v26  }
0xc3: {  	v21 =	vadd.f32 v55, v21;
	v23 =	vmul.f32 $1.562500000e-02, v23;
	[tilespmem:$0x8110] =	vst v25  }
0xc4: {  	v20 =	vadd.f32 v56, v20;
	v22 =	vmul.f32 $1.562500000e-02, v22;
	[tilespmem:$0x8120] =	vst v24  }
0xc5: {  	v19 =	vadd.f32 v57, v19;
	v21 =	vmul.f32 $1.562500000e-02, v21;
	[tilespmem:$0x8130] =	vst v23  }
0xc6: {  	v18 =	vadd.f32 v58, v18;
	v20 =	vmul.f32 $1.562500000e-02, v20;
	[tilespmem:$0x8140] =	vst v22  }
0xc7: {  	v17 =	vadd.f32 v59, v17;
	v19 =	vmul.f32 $1.562500000e-02, v19;
	[tilespmem:$0x8150] =	vst v21  }
0xc8: {  	v16 =	vadd.f32 v60, v16;
	v18 =	vmul.f32 $1.562500000e-02, v18;
	[tilespmem:$0x8160] =	vst v20  }
0xc9: {  	v15 =	vadd.f32 v61, v15;
	v17 =	vmul.f32 $1.562500000e-02, v17;
	[tilespmem:$0x8170] =	vst v19  }
0xca: {  	v14 =	vadd.f32 v62, v14;
	v16 =	vmul.f32 $1.562500000e-02, v16;
	[tilespmem:$0x8180] =	vst v18  }
0xcb: {  	v2 =	vadd.f32 v2, v9;
	v50 =	vld [tilespmem:$0x1FFA0];
	v15 =	vmul.f32 $1.562500000e-02, v15;
	[tilespmem:$0x8190] =	vst v17  }
0xcc: {  	v4 =	vadd.f32 v38, v4;
	v1 =	vadd.f32 v1, v10;
	v48 =	vmul.f32 $1.562500000e-02, v14;
	[tilespmem:$0x81A0] =	vst v16  }
0xcd: {  	v7 =	vadd.f32 v36, v7;
	v56 =	vld [tilespmem:$0x1FFC0];
	v2 =	vmul.f32 $1.562500000e-02, v2;
	v0 =	vadd.f32 v0, v12;
	[tilespmem:$0x81B0] =	vst v15  }
0xce: {  	v8 =	vadd.f32 v35, v8;
	v61 =	vld [tilespmem:$0x1FFD0];
	v52 =	vmul.f32 $1.562500000e-02, v1;
	v13 =	vadd.f32 v63, v13;
	[tilespmem:$0x81C0] =	vst v48  }
0xcf: {  	v53 =	vadd.f32 v39, v6;
	v54 =	vadd.f32 v42, v7;
	[tilespmem:$0x81F0] =	vst v2;
	v0 =	vmul.f32 $1.562500000e-02, v0  }
0xd0: {  	v57 =	vadd.f32 v43, v8;
	[tilespmem:$0x8200] =	vst v52;
	v4 =	vadd.f32 v50, v4;
	v51 =	vld [tilespmem:$0x1FFB0];
	v49 =	vmul.f32 $1.562500000e-02, v13  }
0xd1: {  	v1 =	vadd.f32 v44, v53;
	v59 =	vmul.f32 $1.562500000e-02, v54;
	[tilespmem:$0x81E0] =	vst v0  }
0xd2: {  	v60 =	vmul.f32 $1.562500000e-02, v57;
	v55 =	vmul.f32 $1.562500000e-02, v4;
	v4 =	vadd.f32 v56, v5;
	[tilespmem:$0x81D0] =	vst v49  }
0xd3: {  	v11 =	vadd.f32 v37, v11;
	v3 =	vadd.f32 v61, v3;
	v1 =	vmul.f32 $1.562500000e-02, v1;
	[tilespmem:$0x8230] =	vst v59  }
0xd4: {  	[tilespmem:$0x8240] =	vst v60;
	v4 =	vadd.f32 v40, v4  }
0xd5: {  	v63 =	vmul.f32 $1.562500000e-02, v3;
	[tilespmem:$0x8250] =	vst v1;
	v9 =	vadd.f32 v51, v11  }
0xd6: {  	[tilespmem:$0x8210] =	vst v55;
	v62 =	vmul.f32 $1.562500000e-02, v4  }
0xd7: {  	s3 =	sadd.s32 $0x1, s3;
	[tilespmem:$0x8270] =	vst v63;
	v58 =	vmul.f32 $1.562500000e-02, v9  }
0xd8: {  	p0 =	sne.s32 s3, s7;
	[tilespmem:$0x8260] =	vst v62  }
.Ltmp2:
0xd9: {  	[tilespmem:$0x8220] =	vst v58;
	(pc) =	sbr.rel @p0 .LBB2_2-.Ltmp2, $4  }
0xda: {  	[hbm4b:s5+s9] =	stream.strided.scatter [tilespmem:s28], [sflag:$0x2], $0x200, s26, s9, $0x38;
	[tilespmem:$0x8280] =	vst v63  }
0xdb: {  	_ =	swait.ge [sflag:s8], $0x200  }
0xdc: {  	[sflag:s8] =	ssyncset.done $0x0  }
0xdd: {  	[sflag:s8] =	ssyncadd.s32 $0xFFFFFE00  }
.LBB2_5:
0xde: {  	_ =	sfence.sel $0x180000  }
0xdf: {  	[bflag:$0x0] =	sbarrier.arrive $0xFFFF  }
0xe0: {  	_ =	strace $0x90000047  }
0xe1: {  	s0 =	stileid.u32;
	[bflag:$0x2] =	sbarrier.arrive $0xFFFF  }
0xe2: {  	p0 =	sne.s32 s0, $0x0;
	s0 =	rddreg [dreg:$0x3]  }
0xe3: {  	s0 =	sadd.s32 @!p0 $0x100000, s0  }
0xe4: {  	[sflag:s0] =	ssyncadd.tile.s32 @!p0 $0x1;
	_ =	shalt  }
.Lfunc_end2:
_tile_overlayer_lowered:
.L_overlay_start_2:
0xe5: {  	(tag) =	ssettag $0x2  }
0xe6: {  	s0 =	rddreg [dreg:$0x0];
	s2 =	stileid.u32  }
0xe7: {  	s1 =	rddreg [dreg:$0x1];
	p0 =	sne.s32 s2, $0x0  }
0xe8: {  	s3 =	rddreg [dreg:$0x2];
	[bflag:$0x3] =	sbarrier.arrive $0xFFFF;
	s2 =	simm.s32 @!p0 $0x1C02  }
0xe9: {  	[timem:s3], [sflag:s2] =	dma.local @!p0 [hbm:s0], s1  }
0xea: {  	s0 =	simm.s32 @!p0 $0x2  }
0xeb: {  	_ =	swait.ge @!p0 [sflag:s0], s1  }
0xec: {  	s1 =	ssub.s32 @!p0 $0x0, s1;
	[sflag:s0] =	ssyncset.done @!p0 $0x0  }
0xed: {  	[sflag:s0] =	ssyncadd.s32 @!p0 s1  }
0xee: {  	[bflag:$0x3] =	sbarrier.arrive $0xFFFF  }
0xef: {  	_ =	shalt  }

</sc_bundles>
